<compile_context>
chip_gen: v7x
topology: tpu7x:2x2x1
jax: 0.10.2.dev20260603
libtpu: 0.0.44.dev20260713+nightly
codegen_flags: <defaults>
</compile_context>

<pallas_src>
import jax
import jax.numpy as jnp
from jax.experimental import pallas as pl
from jax.experimental.pallas import tpu as pltpu

_E = 8
_TOPK = 2
_BLK = 128
_BLKM = 128
_N = 2048
_D = 768
_F = 3072
_S = _N * _TOPK
_P = _S + _E * _BLKM
_NB = _P // _BLKM


def _gating_body(x_ref, wg_ref, bg_ref, topi_ref, w_ref):
    logits = jnp.dot(x_ref[...], wg_ref[...], preferred_element_type=jnp.float32)
    logits = logits + bg_ref[...]
    lane = jax.lax.broadcasted_iota(jnp.int32, logits.shape, 1)
    m1 = jnp.max(logits, axis=1, keepdims=True)
    i1 = jnp.min(jnp.where(logits == m1, lane, _E), axis=1, keepdims=True)
    l2 = jnp.where(lane == i1, -jnp.inf, logits)
    m2 = jnp.max(l2, axis=1, keepdims=True)
    i2 = jnp.min(jnp.where(l2 == m2, lane, _E), axis=1, keepdims=True)
    r = jnp.exp(m2 - m1)
    topi_ref[...] = jnp.concatenate([i1, i2], axis=1)
    w_ref[...] = jnp.concatenate([1.0 / (1.0 + r), r / (1.0 + r)], axis=1)


def _route(topi):
    e_flat = topi.reshape(-1).astype(jnp.int32)
    onehot = (e_flat[:, None] == jnp.arange(_E, dtype=jnp.int32)[None, :]).astype(jnp.int32)
    csum = jnp.cumsum(onehot, axis=0)
    counts = csum[-1]
    rank = jnp.take_along_axis(csum, e_flat[:, None], axis=1)[:, 0] - 1
    padded = ((counts + _BLKM - 1) // _BLKM) * _BLKM
    pad_off = jnp.concatenate([jnp.zeros((1,), jnp.int32), jnp.cumsum(padded)[:-1]])
    slot = pad_off[e_flat] + rank
    src_token = jnp.zeros((_P,), jnp.int32).at[slot].set(
        jnp.arange(_S, dtype=jnp.int32) // _TOPK)
    cumblk = jnp.cumsum(padded // _BLKM)
    bidx = jnp.arange(_NB, dtype=jnp.int32)
    block_expert = jnp.sum((bidx[:, None] >= cumblk[None, :]).astype(jnp.int32), axis=1)
    block_expert = jnp.minimum(block_expert, _E - 1)
    return slot, src_token, block_expert


def _mlp_body(be_ref, bufi_ref, start_ref, nxt_ref, st_ref,
              x_ref, w1_ref, b1_ref, w2_ref, b2_ref, ys_ref,
              xs_ref, w1buf, w2buf, w1b16, w2b16, sems):
    i = pl.program_id(0)
    b = bufi_ref[i]

    @pl.when(i == 0)
    def _():
        e0 = be_ref[0]
        pltpu.make_async_copy(w1_ref.at[e0], w1buf.at[0], sems.at[0, 0]).start()
        pltpu.make_async_copy(w2_ref.at[e0], w2buf.at[0], sems.at[0, 1]).start()

    @pl.when(start_ref[i] == 1)
    def _():
        nxt = nxt_ref[i]

        @pl.when(nxt >= 0)
        def _():
            nb = 1 - b
            pltpu.make_async_copy(w1_ref.at[nxt], w1buf.at[nb], sems.at[nb, 0]).start()
            pltpu.make_async_copy(w2_ref.at[nxt], w2buf.at[nb], sems.at[nb, 1]).start()

        pltpu.make_async_copy(w1_ref.at[be_ref[i]], w1buf.at[b], sems.at[b, 0]).wait()
        pltpu.make_async_copy(w2_ref.at[be_ref[i]], w2buf.at[b], sems.at[b, 1]).wait()
        w1b16[pl.ds(b, 1)] = w1buf[pl.ds(b, 1)].astype(jnp.bfloat16)
        w2b16[pl.ds(b, 1)] = w2buf[pl.ds(b, 1)].astype(jnp.bfloat16)

    g = i % 2

    def gather(base, dst):
        def body(j, carry):
            tok = st_ref[base + j]
            xs_ref[dst, pl.ds(j, 1), :] = x_ref[pl.ds(tok, 1), :]
            return carry

        jax.lax.fori_loop(0, _BLKM, body, 0, unroll=8)

    @pl.when(i == 0)
    def _():
        gather(0, 0)

    h = jnp.dot(xs_ref[g].astype(jnp.bfloat16), w1b16[b],
                preferred_element_type=jnp.float32) + b1_ref[0]
    h = jnp.maximum(h, 0.0)
    ys_ref[...] = jnp.dot(h.astype(jnp.bfloat16), w2b16[b],
                          preferred_element_type=jnp.float32) + b2_ref[0]

    @pl.when(i + 1 < _NB)
    def _():
        gather((i + 1) * _BLKM, 1 - g)


def _combine_body(pos_ref, w_ref, ys_ref, out_ref, a_ref, b_ref):
    i = pl.program_id(0)

    def gather(j, carry):
        n = i * _BLK + j
        a_ref[pl.ds(j, 1), :] = ys_ref[pl.ds(pos_ref[2 * n], 1), :]
        b_ref[pl.ds(j, 1), :] = ys_ref[pl.ds(pos_ref[2 * n + 1], 1), :]
        return carry

    jax.lax.fori_loop(0, _BLK, gather, 0, unroll=8)
    out_ref[...] = w_ref[:, 0:1] * a_ref[...] + w_ref[:, 1:2] * b_ref[...]


def kernel(x, Wg, bg, W1, b1, W2, b2):
    topi, w = pl.pallas_call(
        _gating_body,
        grid=(4,),
        in_specs=[
            pl.BlockSpec((_N // 4, _D), lambda i: (i, 0)),
            pl.BlockSpec((_D, _E), lambda i: (0, 0)),
            pl.BlockSpec((1, _E), lambda i: (0, 0)),
        ],
        out_specs=[
            pl.BlockSpec((_N // 4, _TOPK), lambda i: (i, 0)),
            pl.BlockSpec((_N // 4, _TOPK), lambda i: (i, 0)),
        ],
        out_shape=[
            jax.ShapeDtypeStruct((_N, _TOPK), jnp.int32),
            jax.ShapeDtypeStruct((_N, _TOPK), jnp.float32),
        ],
        compiler_params=pltpu.CompilerParams(dimension_semantics=("parallel",)),
    )(x, Wg, bg.reshape(1, _E))

    slot, src_token, block_expert = _route(topi)

    is_start = jnp.concatenate(
        [jnp.ones((1,), jnp.int32),
         (block_expert[1:] != block_expert[:-1]).astype(jnp.int32)])
    run_idx = jnp.cumsum(is_start) - 1
    bufi = (run_idx % 2).astype(jnp.int32)
    eidx = jnp.arange(_E, dtype=jnp.int32)
    present = jnp.any(block_expert[None, :] == eidx[:, None], axis=1)
    cand = jnp.where(present[None, :] & (eidx[None, :] > block_expert[:, None]),
                     eidx[None, :], _E)
    nxt = jnp.min(cand, axis=1).astype(jnp.int32)
    nxt = jnp.where(nxt == _E, -1, nxt)

    ys = pl.pallas_call(
        _mlp_body,
        grid_spec=pltpu.PrefetchScalarGridSpec(
            num_scalar_prefetch=5,
            grid=(_NB,),
            in_specs=[
                pl.BlockSpec((_N, _D), lambda i, *_: (0, 0)),
                pl.BlockSpec(memory_space=pl.ANY),
                pl.BlockSpec((1, 1, _F), lambda i, be, *_: (be[i], 0, 0)),
                pl.BlockSpec(memory_space=pl.ANY),
                pl.BlockSpec((1, 1, _D), lambda i, be, *_: (be[i], 0, 0)),
            ],
            out_specs=pl.BlockSpec((_BLKM, _D), lambda i, *_: (i, 0)),
            scratch_shapes=[
                pltpu.VMEM((2, _BLKM, _D), jnp.float32),
                pltpu.VMEM((2, _D, _F), jnp.float32),
                pltpu.VMEM((2, _F, _D), jnp.float32),
                pltpu.VMEM((2, _D, _F), jnp.bfloat16),
                pltpu.VMEM((2, _F, _D), jnp.bfloat16),
                pltpu.SemaphoreType.DMA((2, 2)),
            ],
        ),
        out_shape=jax.ShapeDtypeStruct((_P, _D), jnp.float32),
        compiler_params=pltpu.CompilerParams(
            dimension_semantics=("arbitrary",),
            vmem_limit_bytes=110 * 1024 * 1024,
        ),
    )(block_expert, bufi, is_start, nxt, src_token,
      x, W1, b1.reshape(_E, 1, _F), W2, b2.reshape(_E, 1, _D))

    out = pl.pallas_call(
        _combine_body,
        grid_spec=pltpu.PrefetchScalarGridSpec(
            num_scalar_prefetch=1,
            grid=(_N // _BLK,),
            in_specs=[
                pl.BlockSpec((_BLK, _TOPK), lambda i, pos: (i, 0)),
                pl.BlockSpec((_P, _D), lambda i, pos: (0, 0)),
            ],
            out_specs=pl.BlockSpec((_BLK, _D), lambda i, pos: (i, 0)),
            scratch_shapes=[
                pltpu.VMEM((_BLK, _D), jnp.float32),
                pltpu.VMEM((_BLK, _D), jnp.float32),
            ],
        ),
        out_shape=jax.ShapeDtypeStruct((_N, _D), jnp.float32),
        compiler_params=pltpu.CompilerParams(dimension_semantics=("parallel",)),
    )(slot, w, ys)
    return out

# --- scband reference (transcript-rebuilt; emitter-appended) ---
"""Pipeline reference for scband-expert-parallel-wrapper-90305982366000 (READ-ONLY COPY).

The authoritative reference and input builder live on the scoring server;
editing this copy changes nothing except your own understanding.
"""

import jax, jax.numpy as jnp
import numpy as np

E = 8
TOP_K = 2
D_MODEL = 768
D_FF = 3072
D_OUT = 768
N_TOKENS = 2048


def setup_inputs(seed: int = 0) -> dict:
    key = jax.random.key(seed)
    ks = jax.random.split(key, 8)
    x = jax.random.normal(ks[0], (N_TOKENS, D_MODEL), dtype=jnp.float32)
    Wg = jax.random.normal(ks[1], (D_MODEL, E), dtype=jnp.float32) * (1.0 / np.sqrt(D_MODEL))
    bg = jnp.zeros((E,), dtype=jnp.float32)
    W1 = jax.random.normal(ks[2], (E, D_MODEL, D_FF), dtype=jnp.float32) * (1.0 / np.sqrt(D_MODEL))
    b1 = jnp.zeros((E, D_FF), dtype=jnp.float32)
    W2 = jax.random.normal(ks[3], (E, D_FF, D_OUT), dtype=jnp.float32) * (1.0 / np.sqrt(D_FF))
    b2 = jnp.zeros((E, D_OUT), dtype=jnp.float32)
    return {"x": x, "Wg": Wg, "bg": bg, "W1": W1, "b1": b1, "W2": W2, "b2": b2}


def reference(x, Wg, bg, W1, b1, W2, b2):
    # Gating network (model.gating): logits -> top-k -> softmax routing weights
    logits = x @ Wg + bg  # [N, E]
    topv, topi = jax.lax.top_k(logits, TOP_K)  # [N, k]
    routing_weights = jax.nn.softmax(topv, axis=-1)  # [N, k]
    # Per-token per-expert combine weight: sum_i routing_weights[n,i] * 1[topi[n,i]==e]
    onehot = jax.nn.one_hot(topi, E, dtype=x.dtype)  # [N, k, E]
    combine = jnp.einsum("nk,nke->ne", routing_weights, onehot)  # [N, E]
    # Expert MLPs applied per-expert; masked-combine reproduces the
    # dispatch loop `outputs[mask] += expert(x[mask]) * weights[mask]`
    h = jax.nn.relu(jnp.einsum("nd,edf->enf", x, W1) + b1[:, None, :])  # [E, N, D_FF]
    y = jnp.einsum("enf,efd->end", h, W2) + b2[:, None, :]  # [E, N, D_OUT]
    outputs = jnp.einsum("ne,end->nd", combine, y)  # [N, D_OUT]
    return outputs

if __name__ == "__main__":
    import jax
    _d = setup_inputs()
    print(jax.jit(kernel)(*tuple(_d.values())))

</pallas_src>

<mosaic_0001>
module attributes {stable_mosaic.version = 14 : i64} {
  func.func @_gating_body(%arg0: i32, %arg1: memref<512x768xf32, #tpu.memory_space<vmem>>, %arg2: memref<768x8xf32, #tpu.memory_space<vmem>>, %arg3: memref<1x8xf32, #tpu.memory_space<vmem>>, %arg4: memref<512x2xi32, #tpu.memory_space<vmem>>, %arg5: memref<512x2xf32, #tpu.memory_space<vmem>>) attributes {dimension_semantics = [#tpu.dimension_semantics<parallel>], iteration_bounds = array<i64: 4>, scalar_prefetch = 0 : i64, scratch_operands = 0 : i64, tpu.core_type = #tpu.core_type<tc>, window_params = [{transform_indices = @transform_0, window_bounds = array<i64: 512, 768>}, {pipeline_mode = #tpu.pipeline_mode<synchronous>, transform_indices = @transform_1, window_bounds = array<i64: 768, 8>}, {pipeline_mode = #tpu.pipeline_mode<synchronous>, transform_indices = @transform_2, window_bounds = array<i64: 1, 8>}, {transform_indices = @transform_3, window_bounds = array<i64: 512, 2>}, {transform_indices = @transform_4, window_bounds = array<i64: 512, 2>}]} {
    %get3A = arith.constant 0 : index
    %get3A_0 = arith.constant 0 : index
    %get3A_1 = vector.load %arg1[%get3A, %get3A_0] : memref<512x768xf32, #tpu.memory_space<vmem>>, vector<512x768xf32>
    %get3A_2 = arith.constant 0 : index
    %get3A_3 = arith.constant 0 : index
    %get3A_4 = vector.load %arg2[%get3A_2, %get3A_3] : memref<768x8xf32, #tpu.memory_space<vmem>>, vector<768x8xf32>
    %dot_general3A = arith.constant dense<0.000000e+00> : vector<512x8xf32>
    %dot_general3A_5 = tpu.matmul %get3A_1, %get3A_4, %dot_general3A {dimension_numbers = #tpu.dot_dimension_numbers<[1], [0], [0], [1], [0, 0, 1, 1], [], []>, transpose_lhs_hint = false} : vector<512x768xf32>, vector<768x8xf32>, vector<512x8xf32> -> vector<512x8xf32>
    %get3A_6 = arith.constant 0 : index
    %get3A_7 = arith.constant 0 : index
    %get3A_8 = vector.load %arg3[%get3A_6, %get3A_7] : memref<1x8xf32, #tpu.memory_space<vmem>>, vector<1x8xf32>
    %add3A = vector.broadcast %get3A_8 : vector<1x8xf32> to vector<512x8xf32>
    %add3A_9 = arith.addf %dot_general3A_5, %add3A : vector<512x8xf32>
    %iota3A = tpu.iota {dimensions = array<i32: 1>} : vector<512x8xi32>
    %reduce_max3A = arith.constant dense<0xFF800000> : vector<512xf32>
    %reduce_max3A_10 = vector.multi_reduction <maximumf>, %add3A_9, %reduce_max3A [1] : vector<512x8xf32> to vector<512xf32>
    %broadcast_in_dim3A = vector.shape_cast %reduce_max3A_10 : vector<512xf32> to vector<512x1xf32>
    %eq3A = vector.broadcast %broadcast_in_dim3A : vector<512x1xf32> to vector<512x8xf32>
    %eq3A_11 = arith.cmpf oeq, %add3A_9, %eq3A : vector<512x8xf32>
    %jit3A = arith.constant 8 : i32
    %broadcast_in_dim3A_12 = vector.broadcast %jit3A : i32 to vector<512x8xi32>
    %select_n3A = arith.select %eq3A_11, %iota3A, %broadcast_in_dim3A_12 : vector<512x8xi1>, vector<512x8xi32>
    %reduce_min3A = arith.constant dense<2147483647> : vector<512xi32>
    %reduce_min3A_13 = vector.multi_reduction <minsi>, %select_n3A, %reduce_min3A [1] : vector<512x8xi32> to vector<512xi32>
    %broadcast_in_dim3A_14 = vector.shape_cast %reduce_min3A_13 : vector<512xi32> to vector<512x1xi32>
    %eq3A_15 = vector.broadcast %broadcast_in_dim3A_14 : vector<512x1xi32> to vector<512x8xi32>
    %eq3A_16 = arith.cmpi eq, %iota3A, %eq3A_15 : vector<512x8xi32>
    %jit3A_17 = arith.constant 0xFF800000 : f32
    %broadcast_in_dim3A_18 = vector.broadcast %jit3A_17 : f32 to vector<512x8xf32>
    %select_n3A_19 = arith.select %eq3A_16, %broadcast_in_dim3A_18, %add3A_9 : vector<512x8xi1>, vector<512x8xf32>
    %reduce_max3A_20 = arith.constant dense<0xFF800000> : vector<512xf32>
    %reduce_max3A_21 = vector.multi_reduction <maximumf>, %select_n3A_19, %reduce_max3A_20 [1] : vector<512x8xf32> to vector<512xf32>
    %broadcast_in_dim3A_22 = vector.shape_cast %reduce_max3A_21 : vector<512xf32> to vector<512x1xf32>
    %eq3A_23 = vector.broadcast %broadcast_in_dim3A_22 : vector<512x1xf32> to vector<512x8xf32>
    %eq3A_24 = arith.cmpf oeq, %select_n3A_19, %eq3A_23 : vector<512x8xf32>
    %jit3A_25 = arith.constant 8 : i32
    %broadcast_in_dim3A_26 = vector.broadcast %jit3A_25 : i32 to vector<512x8xi32>
    %select_n3A_27 = arith.select %eq3A_24, %iota3A, %broadcast_in_dim3A_26 : vector<512x8xi1>, vector<512x8xi32>
    %reduce_min3A_28 = arith.constant dense<2147483647> : vector<512xi32>
    %reduce_min3A_29 = vector.multi_reduction <minsi>, %select_n3A_27, %reduce_min3A_28 [1] : vector<512x8xi32> to vector<512xi32>
    %broadcast_in_dim3A_30 = vector.shape_cast %reduce_min3A_29 : vector<512xi32> to vector<512x1xi32>
    %sub3A = arith.subf %broadcast_in_dim3A_22, %broadcast_in_dim3A : vector<512x1xf32>
    %exp3A = math.exp %sub3A : vector<512x1xf32>
    %concatenate3A = tpu.concatenate %broadcast_in_dim3A_14, %broadcast_in_dim3A_30 in 1 : vector<512x1xi32>, vector<512x1xi32> -> vector<512x2xi32>
    %swap3A = arith.constant 0 : index
    %swap3A_31 = arith.constant 0 : index
    %swap3A_32 = vector.load %arg4[%swap3A, %swap3A_31] : memref<512x2xi32, #tpu.memory_space<vmem>>, vector<512x2xi32>
    tpu.vector_store %arg4[%swap3A, %swap3A_31], %concatenate3A {strides = array<i32>} : memref<512x2xi32, #tpu.memory_space<vmem>>, vector<512x2xi32>,
    %add3A_33 = arith.constant 1.000000e+00 : f32
    %add3A_34 = vector.broadcast %add3A_33 : f32 to vector<512x1xf32>
    %add3A_35 = arith.addf %add3A_34, %exp3A : vector<512x1xf32>
    %div3A = arith.constant 1.000000e+00 : f32
    %div3A_36 = vector.broadcast %div3A : f32 to vector<512x1xf32>
    %div3A_37 = arith.divf %div3A_36, %add3A_35 : vector<512x1xf32>
    %add3A_38 = arith.constant 1.000000e+00 : f32
    %add3A_39 = vector.broadcast %add3A_38 : f32 to vector<512x1xf32>
    %add3A_40 = arith.addf %add3A_39, %exp3A : vector<512x1xf32>
    %div3A_41 = arith.divf %exp3A, %add3A_40 : vector<512x1xf32>
    %concatenate3A_42 = tpu.concatenate %div3A_37, %div3A_41 in 1 : vector<512x1xf32>, vector<512x1xf32> -> vector<512x2xf32>
    %swap3A_43 = arith.constant 0 : index
    %swap3A_44 = arith.constant 0 : index
    %swap3A_45 = vector.load %arg5[%swap3A_43, %swap3A_44] : memref<512x2xf32, #tpu.memory_space<vmem>>, vector<512x2xf32>
    tpu.vector_store %arg5[%swap3A_43, %swap3A_44], %concatenate3A_42 {strides = array<i32>} : memref<512x2xf32, #tpu.memory_space<vmem>>, vector<512x2xf32>,
    return
  }
  func.func @transform_0(%arg0: i32) -> (i32, i32) {
    %c0_i32 = arith.constant 0 : i32
    %c0_i32_0 = arith.constant 0 : i32
    return %arg0, %c0_i32 : i32, i32
  }
  func.func @transform_1(%arg0: i32) -> (i32, i32) {
    %c0_i32 = arith.constant 0 : i32
    %c0_i32_0 = arith.constant 0 : i32
    %c0_i32_1 = arith.constant 0 : i32
    return %c0_i32, %c0_i32_0 : i32, i32
  }
  func.func @transform_2(%arg0: i32) -> (i32, i32) {
    %c0_i32 = arith.constant 0 : i32
    %c0_i32_0 = arith.constant 0 : i32
    %c0_i32_1 = arith.constant 0 : i32
    return %c0_i32, %c0_i32_0 : i32, i32
  }
  func.func @transform_3(%arg0: i32) -> (i32, i32) {
    %c0_i32 = arith.constant 0 : i32
    %c0_i32_0 = arith.constant 0 : i32
    return %arg0, %c0_i32 : i32, i32
  }
  func.func @transform_4(%arg0: i32) -> (i32, i32) {
    %c0_i32 = arith.constant 0 : i32
    %c0_i32_0 = arith.constant 0 : i32
    return %arg0, %c0_i32 : i32, i32
  }
}

module attributes {stable_mosaic.version = 14 : i64} {
  func.func @_mlp_body(%arg0: i32, %arg1: memref<40xi32, #tpu.memory_space<smem>>, %arg2: memref<40xi32, #tpu.memory_space<smem>>, %arg3: memref<40xi32, #tpu.memory_space<smem>>, %arg4: memref<40xi32, #tpu.memory_space<smem>>, %arg5: memref<5120xi32, #tpu.memory_space<smem>>, %arg6: memref<2048x768xf32, #tpu.memory_space<vmem>>, %arg7: memref<8x768x3072xf32, #tpu.memory_space<any>>, %arg8: memref<1x1x3072xf32, #tpu.memory_space<vmem>>, %arg9: memref<8x3072x768xf32, #tpu.memory_space<any>>, %arg10: memref<1x1x768xf32, #tpu.memory_space<vmem>>, %arg11: memref<128x768xf32, #tpu.memory_space<vmem>>, %arg12: memref<2x128x768xf32, #tpu.memory_space<vmem>>, %arg13: memref<2x768x3072xf32, #tpu.memory_space<vmem>>, %arg14: memref<2x3072x768xf32, #tpu.memory_space<vmem>>, %arg15: memref<2x768x3072xbf16, #tpu.memory_space<vmem>>, %arg16: memref<2x3072x768xbf16, #tpu.memory_space<vmem>>, %arg17: memref<2x2x!tpu.dma_semaphore, #tpu.memory_space<semaphore_mem>>) attributes {dimension_semantics = [#tpu.dimension_semantics<arbitrary>], iteration_bounds = array<i64: 40>, scalar_prefetch = 5 : i64, scratch_operands = 6 : i64, tpu.core_type = #tpu.core_type<tc>, window_params = [{pipeline_mode = #tpu.pipeline_mode<synchronous>, transform_indices = @transform_0, window_bounds = array<i64: 2048, 768>}, {}, {transform_indices = @transform_2, window_bounds = array<i64: 1, 1, 3072>}, {}, {transform_indices = @transform_4, window_bounds = array<i64: 1, 1, 768>}, {transform_indices = @transform_5, window_bounds = array<i64: 128, 768>}]} {
    %get3A = arith.index_cast %arg0 : i32 to index
    %get3A_0 = memref.load %arg2[%get3A] : memref<40xi32, #tpu.memory_space<smem>>
    %eq3A = arith.constant 0 : i32
    %eq3A_1 = arith.cmpi eq, %arg0, %eq3A : i32
    %convert_element_type3A = arith.extui %eq3A_1 : i1 to i32
    %cond3A = arith.constant 0 : i32
    %cond3A_2 = arith.cmpi ne, %convert_element_type3A, %cond3A : i32
    scf.if %cond3A_2 {
      %get3A_69 = arith.constant 0 : index
      %get3A_70 = memref.load %arg1[%get3A_69] : memref<40xi32, #tpu.memory_space<smem>>
      %dma_start3A = arith.constant 0 : i32
      %dma_start3A_71 = arith.constant 0 : i32
      %dma_start3A_72 = arith.constant 0 : i32
      %dma_start3A_73 = tpu.memref_slice %arg17[%dma_start3A_71, %dma_start3A_72] : memref<2x2x!tpu.dma_semaphore, #tpu.memory_space<semaphore_mem>> -> memref<1x1x!tpu.dma_semaphore, #tpu.memory_space<semaphore_mem>>
      %dma_start3A_74 = tpu.memref_squeeze %dma_start3A_73 : memref<1x1x!tpu.dma_semaphore, #tpu.memory_space<semaphore_mem>> -> memref<!tpu.dma_semaphore, #tpu.memory_space<semaphore_mem>>
      %dma_start3A_75 = arith.constant 0 : i32
      %dma_start3A_76 = arith.constant 0 : i32
      %dma_start3A_77 = tpu.memref_slice %arg13[%dma_start3A, %dma_start3A_75, %dma_start3A_76] : memref<2x768x3072xf32, #tpu.memory_space<vmem>> -> memref<1x768x3072xf32, #tpu.memory_space<vmem>>
      %dma_start3A_78 = tpu.memref_squeeze %dma_start3A_77 : memref<1x768x3072xf32, #tpu.memory_space<vmem>> -> memref<768x3072xf32, #tpu.memory_space<vmem>>
      %dma_start3A_79 = arith.constant 0 : i32
      %dma_start3A_80 = arith.constant 0 : i32
      %dma_start3A_81 = tpu.memref_slice %arg7[%get3A_70, %dma_start3A_79, %dma_start3A_80] : memref<8x768x3072xf32, #tpu.memory_space<any>> -> memref<1x768x3072xf32, #tpu.memory_space<any>>
      %dma_start3A_82 = tpu.memref_squeeze %dma_start3A_81 : memref<1x768x3072xf32, #tpu.memory_space<any>> -> memref<768x3072xf32, #tpu.memory_space<any>>
      tpu.enqueue_dma source(%dma_start3A_82 : memref<768x3072xf32, #tpu.memory_space<any>>) target(%dma_start3A_78 : memref<768x3072xf32, #tpu.memory_space<vmem>>) target_semaphore(%dma_start3A_74 : memref<!tpu.dma_semaphore, #tpu.memory_space<semaphore_mem>>)
      %dma_start3A_83 = arith.constant 0 : i32
      %dma_start3A_84 = arith.constant 0 : i32
      %dma_start3A_85 = arith.constant 1 : i32
      %dma_start3A_86 = tpu.memref_slice %arg17[%dma_start3A_84, %dma_start3A_85] : memref<2x2x!tpu.dma_semaphore, #tpu.memory_space<semaphore_mem>> -> memref<1x1x!tpu.dma_semaphore, #tpu.memory_space<semaphore_mem>>
      %dma_start3A_87 = tpu.memref_squeeze %dma_start3A_86 : memref<1x1x!tpu.dma_semaphore, #tpu.memory_space<semaphore_mem>> -> memref<!tpu.dma_semaphore, #tpu.memory_space<semaphore_mem>>
      %dma_start3A_88 = arith.constant 0 : i32
      %dma_start3A_89 = arith.constant 0 : i32
      %dma_start3A_90 = tpu.memref_slice %arg14[%dma_start3A_83, %dma_start3A_88, %dma_start3A_89] : memref<2x3072x768xf32, #tpu.memory_space<vmem>> -> memref<1x3072x768xf32, #tpu.memory_space<vmem>>
      %dma_start3A_91 = tpu.memref_squeeze %dma_start3A_90 : memref<1x3072x768xf32, #tpu.memory_space<vmem>> -> memref<3072x768xf32, #tpu.memory_space<vmem>>
      %dma_start3A_92 = arith.constant 0 : i32
      %dma_start3A_93 = arith.constant 0 : i32
      %dma_start3A_94 = tpu.memref_slice %arg9[%get3A_70, %dma_start3A_92, %dma_start3A_93] : memref<8x3072x768xf32, #tpu.memory_space<any>> -> memref<1x3072x768xf32, #tpu.memory_space<any>>
      %dma_start3A_95 = tpu.memref_squeeze %dma_start3A_94 : memref<1x3072x768xf32, #tpu.memory_space<any>> -> memref<3072x768xf32, #tpu.memory_space<any>>
      tpu.enqueue_dma source(%dma_start3A_95 : memref<3072x768xf32, #tpu.memory_space<any>>) target(%dma_start3A_91 : memref<3072x768xf32, #tpu.memory_space<vmem>>) target_semaphore(%dma_start3A_87 : memref<!tpu.dma_semaphore, #tpu.memory_space<semaphore_mem>>)
    } else {
    }
    %get3A_3 = arith.index_cast %arg0 : i32 to index
    %get3A_4 = memref.load %arg3[%get3A_3] : memref<40xi32, #tpu.memory_space<smem>>
    %eq3A_5 = arith.constant 1 : i32
    %eq3A_6 = arith.cmpi eq, %get3A_4, %eq3A_5 : i32
    %convert_element_type3A_7 = arith.extui %eq3A_6 : i1 to i32
    %cond3A_8 = arith.constant 0 : i32
    %cond3A_9 = arith.cmpi ne, %convert_element_type3A_7, %cond3A_8 : i32
    scf.if %cond3A_9 {
      %get3A_69 = arith.index_cast %arg0 : i32 to index
      %get3A_70 = memref.load %arg4[%get3A_69] : memref<40xi32, #tpu.memory_space<smem>>
      %ge3A = arith.constant 0 : i32
      %ge3A_71 = arith.cmpi sge, %get3A_70, %ge3A : i32
      %convert_element_type3A_72 = arith.extui %ge3A_71 : i1 to i32
      %cond3A_73 = arith.constant 0 : i32
      %cond3A_74 = arith.cmpi ne, %convert_element_type3A_72, %cond3A_73 : i32
      scf.if %cond3A_74 {
        %sub3A = arith.constant 1 : i32
        %sub3A_118 = arith.subi %sub3A, %get3A_0 : i32
        %dma_start3A = arith.constant 0 : i32
        %dma_start3A_119 = tpu.memref_slice %arg17[%sub3A_118, %dma_start3A] : memref<2x2x!tpu.dma_semaphore, #tpu.memory_space<semaphore_mem>> -> memref<1x1x!tpu.dma_semaphore, #tpu.memory_space<semaphore_mem>>
        %dma_start3A_120 = tpu.memref_squeeze %dma_start3A_119 : memref<1x1x!tpu.dma_semaphore, #tpu.memory_space<semaphore_mem>> -> memref<!tpu.dma_semaphore, #tpu.memory_space<semaphore_mem>>
        %dma_start3A_121 = arith.constant 0 : i32
        %dma_start3A_122 = arith.constant 0 : i32
        %dma_start3A_123 = tpu.memref_slice %arg13[%sub3A_118, %dma_start3A_121, %dma_start3A_122] : memref<2x768x3072xf32, #tpu.memory_space<vmem>> -> memref<1x768x3072xf32, #tpu.memory_space<vmem>>
        %dma_start3A_124 = tpu.memref_squeeze %dma_start3A_123 : memref<1x768x3072xf32, #tpu.memory_space<vmem>> -> memref<768x3072xf32, #tpu.memory_space<vmem>>
        %dma_start3A_125 = arith.constant 0 : i32
        %dma_start3A_126 = arith.constant 0 : i32
        %dma_start3A_127 = tpu.memref_slice %arg7[%get3A_70, %dma_start3A_125, %dma_start3A_126] : memref<8x768x3072xf32, #tpu.memory_space<any>> -> memref<1x768x3072xf32, #tpu.memory_space<any>>
        %dma_start3A_128 = tpu.memref_squeeze %dma_start3A_127 : memref<1x768x3072xf32, #tpu.memory_space<any>> -> memref<768x3072xf32, #tpu.memory_space<any>>
        tpu.enqueue_dma source(%dma_start3A_128 : memref<768x3072xf32, #tpu.memory_space<any>>) target(%dma_start3A_124 : memref<768x3072xf32, #tpu.memory_space<vmem>>) target_semaphore(%dma_start3A_120 : memref<!tpu.dma_semaphore, #tpu.memory_space<semaphore_mem>>)
        %dma_start3A_129 = arith.constant 1 : i32
        %dma_start3A_130 = tpu.memref_slice %arg17[%sub3A_118, %dma_start3A_129] : memref<2x2x!tpu.dma_semaphore, #tpu.memory_space<semaphore_mem>> -> memref<1x1x!tpu.dma_semaphore, #tpu.memory_space<semaphore_mem>>
        %dma_start3A_131 = tpu.memref_squeeze %dma_start3A_130 : memref<1x1x!tpu.dma_semaphore, #tpu.memory_space<semaphore_mem>> -> memref<!tpu.dma_semaphore, #tpu.memory_space<semaphore_mem>>
        %dma_start3A_132 = arith.constant 0 : i32
        %dma_start3A_133 = arith.constant 0 : i32
        %dma_start3A_134 = tpu.memref_slice %arg14[%sub3A_118, %dma_start3A_132, %dma_start3A_133] : memref<2x3072x768xf32, #tpu.memory_space<vmem>> -> memref<1x3072x768xf32, #tpu.memory_space<vmem>>
        %dma_start3A_135 = tpu.memref_squeeze %dma_start3A_134 : memref<1x3072x768xf32, #tpu.memory_space<vmem>> -> memref<3072x768xf32, #tpu.memory_space<vmem>>
        %dma_start3A_136 = arith.constant 0 : i32
        %dma_start3A_137 = arith.constant 0 : i32
        %dma_start3A_138 = tpu.memref_slice %arg9[%get3A_70, %dma_start3A_136, %dma_start3A_137] : memref<8x3072x768xf32, #tpu.memory_space<any>> -> memref<1x3072x768xf32, #tpu.memory_space<any>>
        %dma_start3A_139 = tpu.memref_squeeze %dma_start3A_138 : memref<1x3072x768xf32, #tpu.memory_space<any>> -> memref<3072x768xf32, #tpu.memory_space<any>>
        tpu.enqueue_dma source(%dma_start3A_139 : memref<3072x768xf32, #tpu.memory_space<any>>) target(%dma_start3A_135 : memref<3072x768xf32, #tpu.memory_space<vmem>>) target_semaphore(%dma_start3A_131 : memref<!tpu.dma_semaphore, #tpu.memory_space<semaphore_mem>>)
      } else {
      }
      %get3A_75 = arith.index_cast %arg0 : i32 to index
      %get3A_76 = memref.load %arg1[%get3A_75] : memref<40xi32, #tpu.memory_space<smem>>
      %dma_wait3A = arith.constant 0 : i32
      %dma_wait3A_77 = tpu.memref_slice %arg17[%get3A_0, %dma_wait3A] : memref<2x2x!tpu.dma_semaphore, #tpu.memory_space<semaphore_mem>> -> memref<1x1x!tpu.dma_semaphore, #tpu.memory_space<semaphore_mem>>
      %dma_wait3A_78 = tpu.memref_squeeze %dma_wait3A_77 : memref<1x1x!tpu.dma_semaphore, #tpu.memory_space<semaphore_mem>> -> memref<!tpu.dma_semaphore, #tpu.memory_space<semaphore_mem>>
      %dma_wait3A_79 = arith.constant 0 : i32
      %dma_wait3A_80 = arith.constant 0 : i32
      %dma_wait3A_81 = tpu.memref_slice %arg13[%get3A_0, %dma_wait3A_79, %dma_wait3A_80] : memref<2x768x3072xf32, #tpu.memory_space<vmem>> -> memref<1x768x3072xf32, #tpu.memory_space<vmem>>
      %dma_wait3A_82 = tpu.memref_squeeze %dma_wait3A_81 : memref<1x768x3072xf32, #tpu.memory_space<vmem>> -> memref<768x3072xf32, #tpu.memory_space<vmem>>
      %dma_wait3A_83 = arith.constant 0 : i32
      %dma_wait3A_84 = arith.constant 0 : i32
      %dma_wait3A_85 = tpu.memref_slice %arg7[%get3A_76, %dma_wait3A_83, %dma_wait3A_84] : memref<8x768x3072xf32, #tpu.memory_space<any>> -> memref<1x768x3072xf32, #tpu.memory_space<any>>
      %dma_wait3A_86 = tpu.memref_squeeze %dma_wait3A_85 : memref<1x768x3072xf32, #tpu.memory_space<any>> -> memref<768x3072xf32, #tpu.memory_space<any>>
      tpu.wait_dma2 semaphore(%dma_wait3A_78 : memref<!tpu.dma_semaphore, #tpu.memory_space<semaphore_mem>>) src(%dma_wait3A_86 : memref<768x3072xf32, #tpu.memory_space<any>>) dst(%dma_wait3A_82 : memref<768x3072xf32, #tpu.memory_space<vmem>>)
      %get3A_87 = arith.index_cast %arg0 : i32 to index
      %get3A_88 = memref.load %arg1[%get3A_87] : memref<40xi32, #tpu.memory_space<smem>>
      %dma_wait3A_89 = arith.constant 1 : i32
      %dma_wait3A_90 = tpu.memref_slice %arg17[%get3A_0, %dma_wait3A_89] : memref<2x2x!tpu.dma_semaphore, #tpu.memory_space<semaphore_mem>> -> memref<1x1x!tpu.dma_semaphore, #tpu.memory_space<semaphore_mem>>
      %dma_wait3A_91 = tpu.memref_squeeze %dma_wait3A_90 : memref<1x1x!tpu.dma_semaphore, #tpu.memory_space<semaphore_mem>> -> memref<!tpu.dma_semaphore, #tpu.memory_space<semaphore_mem>>
      %dma_wait3A_92 = arith.constant 0 : i32
      %dma_wait3A_93 = arith.constant 0 : i32
      %dma_wait3A_94 = tpu.memref_slice %arg14[%get3A_0, %dma_wait3A_92, %dma_wait3A_93] : memref<2x3072x768xf32, #tpu.memory_space<vmem>> -> memref<1x3072x768xf32, #tpu.memory_space<vmem>>
      %dma_wait3A_95 = tpu.memref_squeeze %dma_wait3A_94 : memref<1x3072x768xf32, #tpu.memory_space<vmem>> -> memref<3072x768xf32, #tpu.memory_space<vmem>>
      %dma_wait3A_96 = arith.constant 0 : i32
      %dma_wait3A_97 = arith.constant 0 : i32
      %dma_wait3A_98 = tpu.memref_slice %arg9[%get3A_88, %dma_wait3A_96, %dma_wait3A_97] : memref<8x3072x768xf32, #tpu.memory_space<any>> -> memref<1x3072x768xf32, #tpu.memory_space<any>>
      %dma_wait3A_99 = tpu.memref_squeeze %dma_wait3A_98 : memref<1x3072x768xf32, #tpu.memory_space<any>> -> memref<3072x768xf32, #tpu.memory_space<any>>
      tpu.wait_dma2 semaphore(%dma_wait3A_91 : memref<!tpu.dma_semaphore, #tpu.memory_space<semaphore_mem>>) src(%dma_wait3A_99 : memref<3072x768xf32, #tpu.memory_space<any>>) dst(%dma_wait3A_95 : memref<3072x768xf32, #tpu.memory_space<vmem>>)
      %get3A_100 = arith.index_cast %get3A_0 : i32 to index
      %get3A_101 = arith.constant 0 : index
      %get3A_102 = arith.constant 0 : index
      %get3A_103 = vector.load %arg13[%get3A_100, %get3A_101, %get3A_102] : memref<2x768x3072xf32, #tpu.memory_space<vmem>>, vector<1x768x3072xf32>
      %convert_element_type3A_104 = arith.truncf %get3A_103 : vector<1x768x3072xf32> to vector<1x768x3072xbf16>
      %swap3A_105 = arith.index_cast %get3A_0 : i32 to index
      %swap3A_106 = arith.constant 0 : index
      %swap3A_107 = arith.constant 0 : index
      %swap3A_108 = vector.load %arg15[%swap3A_105, %swap3A_106, %swap3A_107] : memref<2x768x3072xbf16, #tpu.memory_space<vmem>>, vector<1x768x3072xbf16>
      tpu.vector_store %arg15[%swap3A_105, %swap3A_106, %swap3A_107], %convert_element_type3A_104 {strides = array<i32>} : memref<2x768x3072xbf16, #tpu.memory_space<vmem>>, vector<1x768x3072xbf16>,
      %get3A_109 = arith.index_cast %get3A_0 : i32 to index
      %get3A_110 = arith.constant 0 : index
      %get3A_111 = arith.constant 0 : index
      %get3A_112 = vector.load %arg14[%get3A_109, %get3A_110, %get3A_111] : memref<2x3072x768xf32, #tpu.memory_space<vmem>>, vector<1x3072x768xf32>
      %convert_element_type3A_113 = arith.truncf %get3A_112 : vector<1x3072x768xf32> to vector<1x3072x768xbf16>
      %swap3A_114 = arith.index_cast %get3A_0 : i32 to index
      %swap3A_115 = arith.constant 0 : index
      %swap3A_116 = arith.constant 0 : index
      %swap3A_117 = vector.load %arg16[%swap3A_114, %swap3A_115, %swap3A_116] : memref<2x3072x768xbf16, #tpu.memory_space<vmem>>, vector<1x3072x768xbf16>
      tpu.vector_store %arg16[%swap3A_114, %swap3A_115, %swap3A_116], %convert_element_type3A_113 {strides = array<i32>} : memref<2x3072x768xbf16, #tpu.memory_space<vmem>>, vector<1x3072x768xbf16>,
    } else {
    }
    %jit3A = arith.constant 2 : i32
    %eq3A_10 = arith.constant 0 : i32
    %eq3A_11 = arith.cmpi eq, %jit3A, %eq3A_10 : i32
    %jit3A_12 = arith.constant 1 : i32
    %select_n3A = arith.select %eq3A_11, %jit3A_12, %jit3A : i32
    %rem3A = arith.remsi %arg0, %select_n3A : i32
    %ne3A = arith.constant 0 : i32
    %ne3A_13 = arith.cmpi ne, %rem3A, %ne3A : i32
    %lt3A = arith.constant 0 : i32
    %lt3A_14 = arith.cmpi slt, %rem3A, %lt3A : i32
    %lt3A_15 = arith.constant 0 : i32
    %lt3A_16 = arith.cmpi slt, %select_n3A, %lt3A_15 : i32
    %ne3A_17 = arith.xori %lt3A_14, %lt3A_16 : i1
    %and3A = arith.andi %ne3A_17, %ne3A_13 : i1
    %add3A = arith.addi %rem3A, %select_n3A : i32
    %select_n3A_18 = arith.select %and3A, %add3A, %rem3A : i32
    %eq3A_19 = arith.constant 0 : i32
    %eq3A_20 = arith.cmpi eq, %arg0, %eq3A_19 : i32
    %convert_element_type3A_21 = arith.extui %eq3A_20 : i1 to i32
    %cond3A_22 = arith.constant 0 : i32
    %cond3A_23 = arith.cmpi ne, %convert_element_type3A_21, %cond3A_22 : i32
    scf.if %cond3A_23 {
      %scan3A = arith.constant 0 : i32
      %scan3A_69 = arith.constant 128 : i32
      %scan3A_70 = arith.addi %scan3A, %scan3A_69 : i32
      %scan3A_71 = arith.constant 8 : i32
      scf.for %scan3A_73 = %scan3A to %scan3A_70 step %scan3A_71  : i32 {
        %add3A_74 = arith.constant 0 : i32
        %add3A_75 = arith.addi %add3A_74, %scan3A_73 : i32
        %get3A_76 = arith.index_cast %add3A_75 : i32 to index
        %get3A_77 = memref.load %arg5[%get3A_76] : memref<5120xi32, #tpu.memory_space<smem>>
        %get3A_78 = arith.index_cast %get3A_77 : i32 to index
        %get3A_79 = arith.constant 0 : index
        %get3A_80 = vector.load %arg6[%get3A_78, %get3A_79] : memref<2048x768xf32, #tpu.memory_space<vmem>>, vector<1x768xf32>
        %swap3A_81 = arith.constant 0 : index
        %swap3A_82 = arith.index_cast %scan3A_73 : i32 to index
        %swap3A_83 = arith.constant 0 : index
        %swap3A_84 = vector.load %arg12[%swap3A_81, %swap3A_82, %swap3A_83] : memref<2x128x768xf32, #tpu.memory_space<vmem>>, vector<1x1x768xf32>
        %swap3A_85 = vector.shape_cast %swap3A_84 : vector<1x1x768xf32> to vector<1x768xf32>
        %swap3A_86 = vector.shape_cast %get3A_80 : vector<1x768xf32> to vector<1x1x768xf32>
        tpu.vector_store %arg12[%swap3A_81, %swap3A_82, %swap3A_83], %swap3A_86 {strides = array<i32>} : memref<2x128x768xf32, #tpu.memory_space<vmem>>, vector<1x1x768xf32>,
        %scan3A_87 = arith.constant 1 : i32
        %scan3A_88 = arith.addi %scan3A_73, %scan3A_87 : i32
        %add3A_89 = arith.constant 0 : i32
        %add3A_90 = arith.addi %add3A_89, %scan3A_88 : i32
        %get3A_91 = arith.index_cast %add3A_90 : i32 to index
        %get3A_92 = memref.load %arg5[%get3A_91] : memref<5120xi32, #tpu.memory_space<smem>>
        %get3A_93 = arith.index_cast %get3A_92 : i32 to index
        %get3A_94 = arith.constant 0 : index
        %get3A_95 = vector.load %arg6[%get3A_93, %get3A_94] : memref<2048x768xf32, #tpu.memory_space<vmem>>, vector<1x768xf32>
        %swap3A_96 = arith.constant 0 : index
        %swap3A_97 = arith.index_cast %scan3A_88 : i32 to index
        %swap3A_98 = arith.constant 0 : index
        %swap3A_99 = vector.load %arg12[%swap3A_96, %swap3A_97, %swap3A_98] : memref<2x128x768xf32, #tpu.memory_space<vmem>>, vector<1x1x768xf32>
        %swap3A_100 = vector.shape_cast %swap3A_99 : vector<1x1x768xf32> to vector<1x768xf32>
        %swap3A_101 = vector.shape_cast %get3A_95 : vector<1x768xf32> to vector<1x1x768xf32>
        tpu.vector_store %arg12[%swap3A_96, %swap3A_97, %swap3A_98], %swap3A_101 {strides = array<i32>} : memref<2x128x768xf32, #tpu.memory_space<vmem>>, vector<1x1x768xf32>,
        %scan3A_102 = arith.constant 2 : i32
        %scan3A_103 = arith.addi %scan3A_73, %scan3A_102 : i32
        %add3A_104 = arith.constant 0 : i32
        %add3A_105 = arith.addi %add3A_104, %scan3A_103 : i32
        %get3A_106 = arith.index_cast %add3A_105 : i32 to index
        %get3A_107 = memref.load %arg5[%get3A_106] : memref<5120xi32, #tpu.memory_space<smem>>
        %get3A_108 = arith.index_cast %get3A_107 : i32 to index
        %get3A_109 = arith.constant 0 : index
        %get3A_110 = vector.load %arg6[%get3A_108, %get3A_109] : memref<2048x768xf32, #tpu.memory_space<vmem>>, vector<1x768xf32>
        %swap3A_111 = arith.constant 0 : index
        %swap3A_112 = arith.index_cast %scan3A_103 : i32 to index
        %swap3A_113 = arith.constant 0 : index
        %swap3A_114 = vector.load %arg12[%swap3A_111, %swap3A_112, %swap3A_113] : memref<2x128x768xf32, #tpu.memory_space<vmem>>, vector<1x1x768xf32>
        %swap3A_115 = vector.shape_cast %swap3A_114 : vector<1x1x768xf32> to vector<1x768xf32>
        %swap3A_116 = vector.shape_cast %get3A_110 : vector<1x768xf32> to vector<1x1x768xf32>
        tpu.vector_store %arg12[%swap3A_111, %swap3A_112, %swap3A_113], %swap3A_116 {strides = array<i32>} : memref<2x128x768xf32, #tpu.memory_space<vmem>>, vector<1x1x768xf32>,
        %scan3A_117 = arith.constant 3 : i32
        %scan3A_118 = arith.addi %scan3A_73, %scan3A_117 : i32
        %add3A_119 = arith.constant 0 : i32
        %add3A_120 = arith.addi %add3A_119, %scan3A_118 : i32
        %get3A_121 = arith.index_cast %add3A_120 : i32 to index
        %get3A_122 = memref.load %arg5[%get3A_121] : memref<5120xi32, #tpu.memory_space<smem>>
        %get3A_123 = arith.index_cast %get3A_122 : i32 to index
        %get3A_124 = arith.constant 0 : index
        %get3A_125 = vector.load %arg6[%get3A_123, %get3A_124] : memref<2048x768xf32, #tpu.memory_space<vmem>>, vector<1x768xf32>
        %swap3A_126 = arith.constant 0 : index
        %swap3A_127 = arith.index_cast %scan3A_118 : i32 to index
        %swap3A_128 = arith.constant 0 : index
        %swap3A_129 = vector.load %arg12[%swap3A_126, %swap3A_127, %swap3A_128] : memref<2x128x768xf32, #tpu.memory_space<vmem>>, vector<1x1x768xf32>
        %swap3A_130 = vector.shape_cast %swap3A_129 : vector<1x1x768xf32> to vector<1x768xf32>
        %swap3A_131 = vector.shape_cast %get3A_125 : vector<1x768xf32> to vector<1x1x768xf32>
        tpu.vector_store %arg12[%swap3A_126, %swap3A_127, %swap3A_128], %swap3A_131 {strides = array<i32>} : memref<2x128x768xf32, #tpu.memory_space<vmem>>, vector<1x1x768xf32>,
        %scan3A_132 = arith.constant 4 : i32
        %scan3A_133 = arith.addi %scan3A_73, %scan3A_132 : i32
        %add3A_134 = arith.constant 0 : i32
        %add3A_135 = arith.addi %add3A_134, %scan3A_133 : i32
        %get3A_136 = arith.index_cast %add3A_135 : i32 to index
        %get3A_137 = memref.load %arg5[%get3A_136] : memref<5120xi32, #tpu.memory_space<smem>>
        %get3A_138 = arith.index_cast %get3A_137 : i32 to index
        %get3A_139 = arith.constant 0 : index
        %get3A_140 = vector.load %arg6[%get3A_138, %get3A_139] : memref<2048x768xf32, #tpu.memory_space<vmem>>, vector<1x768xf32>
        %swap3A_141 = arith.constant 0 : index
        %swap3A_142 = arith.index_cast %scan3A_133 : i32 to index
        %swap3A_143 = arith.constant 0 : index
        %swap3A_144 = vector.load %arg12[%swap3A_141, %swap3A_142, %swap3A_143] : memref<2x128x768xf32, #tpu.memory_space<vmem>>, vector<1x1x768xf32>
        %swap3A_145 = vector.shape_cast %swap3A_144 : vector<1x1x768xf32> to vector<1x768xf32>
        %swap3A_146 = vector.shape_cast %get3A_140 : vector<1x768xf32> to vector<1x1x768xf32>
        tpu.vector_store %arg12[%swap3A_141, %swap3A_142, %swap3A_143], %swap3A_146 {strides = array<i32>} : memref<2x128x768xf32, #tpu.memory_space<vmem>>, vector<1x1x768xf32>,
        %scan3A_147 = arith.constant 5 : i32
        %scan3A_148 = arith.addi %scan3A_73, %scan3A_147 : i32
        %add3A_149 = arith.constant 0 : i32
        %add3A_150 = arith.addi %add3A_149, %scan3A_148 : i32
        %get3A_151 = arith.index_cast %add3A_150 : i32 to index
        %get3A_152 = memref.load %arg5[%get3A_151] : memref<5120xi32, #tpu.memory_space<smem>>
        %get3A_153 = arith.index_cast %get3A_152 : i32 to index
        %get3A_154 = arith.constant 0 : index
        %get3A_155 = vector.load %arg6[%get3A_153, %get3A_154] : memref<2048x768xf32, #tpu.memory_space<vmem>>, vector<1x768xf32>
        %swap3A_156 = arith.constant 0 : index
        %swap3A_157 = arith.index_cast %scan3A_148 : i32 to index
        %swap3A_158 = arith.constant 0 : index
        %swap3A_159 = vector.load %arg12[%swap3A_156, %swap3A_157, %swap3A_158] : memref<2x128x768xf32, #tpu.memory_space<vmem>>, vector<1x1x768xf32>
        %swap3A_160 = vector.shape_cast %swap3A_159 : vector<1x1x768xf32> to vector<1x768xf32>
        %swap3A_161 = vector.shape_cast %get3A_155 : vector<1x768xf32> to vector<1x1x768xf32>
        tpu.vector_store %arg12[%swap3A_156, %swap3A_157, %swap3A_158], %swap3A_161 {strides = array<i32>} : memref<2x128x768xf32, #tpu.memory_space<vmem>>, vector<1x1x768xf32>,
        %scan3A_162 = arith.constant 6 : i32
        %scan3A_163 = arith.addi %scan3A_73, %scan3A_162 : i32
        %add3A_164 = arith.constant 0 : i32
        %add3A_165 = arith.addi %add3A_164, %scan3A_163 : i32
        %get3A_166 = arith.index_cast %add3A_165 : i32 to index
        %get3A_167 = memref.load %arg5[%get3A_166] : memref<5120xi32, #tpu.memory_space<smem>>
        %get3A_168 = arith.index_cast %get3A_167 : i32 to index
        %get3A_169 = arith.constant 0 : index
        %get3A_170 = vector.load %arg6[%get3A_168, %get3A_169] : memref<2048x768xf32, #tpu.memory_space<vmem>>, vector<1x768xf32>
        %swap3A_171 = arith.constant 0 : index
        %swap3A_172 = arith.index_cast %scan3A_163 : i32 to index
        %swap3A_173 = arith.constant 0 : index
        %swap3A_174 = vector.load %arg12[%swap3A_171, %swap3A_172, %swap3A_173] : memref<2x128x768xf32, #tpu.memory_space<vmem>>, vector<1x1x768xf32>
        %swap3A_175 = vector.shape_cast %swap3A_174 : vector<1x1x768xf32> to vector<1x768xf32>
        %swap3A_176 = vector.shape_cast %get3A_170 : vector<1x768xf32> to vector<1x1x768xf32>
        tpu.vector_store %arg12[%swap3A_171, %swap3A_172, %swap3A_173], %swap3A_176 {strides = array<i32>} : memref<2x128x768xf32, #tpu.memory_space<vmem>>, vector<1x1x768xf32>,
        %scan3A_177 = arith.constant 7 : i32
        %scan3A_178 = arith.addi %scan3A_73, %scan3A_177 : i32
        %add3A_179 = arith.constant 0 : i32
        %add3A_180 = arith.addi %add3A_179, %scan3A_178 : i32
        %get3A_181 = arith.index_cast %add3A_180 : i32 to index
        %get3A_182 = memref.load %arg5[%get3A_181] : memref<5120xi32, #tpu.memory_space<smem>>
        %get3A_183 = arith.index_cast %get3A_182 : i32 to index
        %get3A_184 = arith.constant 0 : index
        %get3A_185 = vector.load %arg6[%get3A_183, %get3A_184] : memref<2048x768xf32, #tpu.memory_space<vmem>>, vector<1x768xf32>
        %swap3A_186 = arith.constant 0 : index
        %swap3A_187 = arith.index_cast %scan3A_178 : i32 to index
        %swap3A_188 = arith.constant 0 : index
        %swap3A_189 = vector.load %arg12[%swap3A_186, %swap3A_187, %swap3A_188] : memref<2x128x768xf32, #tpu.memory_space<vmem>>, vector<1x1x768xf32>
        %swap3A_190 = vector.shape_cast %swap3A_189 : vector<1x1x768xf32> to vector<1x768xf32>
        %swap3A_191 = vector.shape_cast %get3A_185 : vector<1x768xf32> to vector<1x1x768xf32>
        tpu.vector_store %arg12[%swap3A_186, %swap3A_187, %swap3A_188], %swap3A_191 {strides = array<i32>} : memref<2x128x768xf32, #tpu.memory_space<vmem>>, vector<1x1x768xf32>,
      }
      %scan3A_72 = arith.constant 128 : i32
    } else {
    }
    %get3A_24 = arith.index_cast %select_n3A_18 : i32 to index
    %get3A_25 = arith.constant 0 : index
    %get3A_26 = arith.constant 0 : index
    %get3A_27 = vector.load %arg12[%get3A_24, %get3A_25, %get3A_26] : memref<2x128x768xf32, #tpu.memory_space<vmem>>, vector<1x128x768xf32>
    %get3A_28 = vector.shape_cast %get3A_27 : vector<1x128x768xf32> to vector<128x768xf32>
    %convert_element_type3A_29 = arith.truncf %get3A_28 : vector<128x768xf32> to vector<128x768xbf16>
    %get3A_30 = arith.index_cast %get3A_0 : i32 to index
    %get3A_31 = arith.constant 0 : index
    %get3A_32 = arith.constant 0 : index
    %get3A_33 = vector.load %arg15[%get3A_30, %get3A_31, %get3A_32] : memref<2x768x3072xbf16, #tpu.memory_space<vmem>>, vector<1x768x3072xbf16>
    %get3A_34 = vector.shape_cast %get3A_33 : vector<1x768x3072xbf16> to vector<768x3072xbf16>
    %dot_general3A = arith.constant dense<0.000000e+00> : vector<128x3072xf32>
    %dot_general3A_35 = tpu.matmul %convert_element_type3A_29, %get3A_34, %dot_general3A {dimension_numbers = #tpu.dot_dimension_numbers<[1], [0], [0], [1], [0, 0, 1, 1], [], []>, transpose_lhs_hint = false} : vector<128x768xbf16>, vector<768x3072xbf16>, vector<128x3072xf32> -> vector<128x3072xf32>
    %get3A_36 = arith.constant 0 : index
    %get3A_37 = arith.constant 0 : index
    %get3A_38 = arith.constant 0 : index
    %get3A_39 = vector.load %arg8[%get3A_36, %get3A_37, %get3A_38] : memref<1x1x3072xf32, #tpu.memory_space<vmem>>, vector<1x1x3072xf32>
    %get3A_40 = vector.shape_cast %get3A_39 : vector<1x1x3072xf32> to vector<1x3072xf32>
    %add3A_41 = vector.broadcast %get3A_40 : vector<1x3072xf32> to vector<128x3072xf32>
    %add3A_42 = arith.addf %dot_general3A_35, %add3A_41 : vector<128x3072xf32>
    %max3A = arith.constant 0.000000e+00 : f32
    %max3A_43 = vector.broadcast %max3A : f32 to vector<128x3072xf32>
    %max3A_44 = arith.maximumf %add3A_42, %max3A_43 : vector<128x3072xf32>
    %convert_element_type3A_45 = arith.truncf %max3A_44 : vector<128x3072xf32> to vector<128x3072xbf16>
    %get3A_46 = arith.index_cast %get3A_0 : i32 to index
    %get3A_47 = arith.constant 0 : index
    %get3A_48 = arith.constant 0 : index
    %get3A_49 = vector.load %arg16[%get3A_46, %get3A_47, %get3A_48] : memref<2x3072x768xbf16, #tpu.memory_space<vmem>>, vector<1x3072x768xbf16>
    %get3A_50 = vector.shape_cast %get3A_49 : vector<1x3072x768xbf16> to vector<3072x768xbf16>
    %dot_general3A_51 = arith.constant dense<0.000000e+00> : vector<128x768xf32>
    %dot_general3A_52 = tpu.matmul %convert_element_type3A_45, %get3A_50, %dot_general3A_51 {dimension_numbers = #tpu.dot_dimension_numbers<[1], [0], [0], [1], [0, 0, 1, 1], [], []>, transpose_lhs_hint = false} : vector<128x3072xbf16>, vector<3072x768xbf16>, vector<128x768xf32> -> vector<128x768xf32>
    %get3A_53 = arith.constant 0 : index
    %get3A_54 = arith.constant 0 : index
    %get3A_55 = arith.constant 0 : index
    %get3A_56 = vector.load %arg10[%get3A_53, %get3A_54, %get3A_55] : memref<1x1x768xf32, #tpu.memory_space<vmem>>, vector<1x1x768xf32>
    %get3A_57 = vector.shape_cast %get3A_56 : vector<1x1x768xf32> to vector<1x768xf32>
    %add3A_58 = vector.broadcast %get3A_57 : vector<1x768xf32> to vector<128x768xf32>
    %add3A_59 = arith.addf %dot_general3A_52, %add3A_58 : vector<128x768xf32>
    %swap3A = arith.constant 0 : index
    %swap3A_60 = arith.constant 0 : index
    %swap3A_61 = vector.load %arg11[%swap3A, %swap3A_60] : memref<128x768xf32, #tpu.memory_space<vmem>>, vector<128x768xf32>
    tpu.vector_store %arg11[%swap3A, %swap3A_60], %add3A_59 {strides = array<i32>} : memref<128x768xf32, #tpu.memory_space<vmem>>, vector<128x768xf32>,
    %add3A_62 = arith.constant 1 : i32
    %add3A_63 = arith.addi %arg0, %add3A_62 : i32
    %lt3A_64 = arith.constant 40 : i32
    %lt3A_65 = arith.cmpi slt, %add3A_63, %lt3A_64 : i32
    %convert_element_type3A_66 = arith.extui %lt3A_65 : i1 to i32
    %cond3A_67 = arith.constant 0 : i32
    %cond3A_68 = arith.cmpi ne, %convert_element_type3A_66, %cond3A_67 : i32
    scf.if %cond3A_68 {
      %add3A_69 = arith.constant 1 : i32
      %add3A_70 = arith.addi %arg0, %add3A_69 : i32
      %mul3A = arith.constant 128 : i32
      %mul3A_71 = arith.muli %add3A_70, %mul3A : i32
      %sub3A = arith.constant 1 : i32
      %sub3A_72 = arith.subi %sub3A, %select_n3A_18 : i32
      %scan3A = arith.constant 0 : i32
      %scan3A_73 = arith.constant 128 : i32
      %scan3A_74 = arith.addi %scan3A, %scan3A_73 : i32
      %scan3A_75 = arith.constant 8 : i32
      scf.for %scan3A_77 = %scan3A to %scan3A_74 step %scan3A_75  : i32 {
        %add3A_78 = arith.addi %mul3A_71, %scan3A_77 : i32
        %get3A_79 = arith.index_cast %add3A_78 : i32 to index
        %get3A_80 = memref.load %arg5[%get3A_79] : memref<5120xi32, #tpu.memory_space<smem>>
        %get3A_81 = arith.index_cast %get3A_80 : i32 to index
        %get3A_82 = arith.constant 0 : index
        %get3A_83 = vector.load %arg6[%get3A_81, %get3A_82] : memref<2048x768xf32, #tpu.memory_space<vmem>>, vector<1x768xf32>
        %swap3A_84 = arith.index_cast %sub3A_72 : i32 to index
        %swap3A_85 = arith.index_cast %scan3A_77 : i32 to index
        %swap3A_86 = arith.constant 0 : index
        %swap3A_87 = vector.load %arg12[%swap3A_84, %swap3A_85, %swap3A_86] : memref<2x128x768xf32, #tpu.memory_space<vmem>>, vector<1x1x768xf32>
        %swap3A_88 = vector.shape_cast %swap3A_87 : vector<1x1x768xf32> to vector<1x768xf32>
        %swap3A_89 = vector.shape_cast %get3A_83 : vector<1x768xf32> to vector<1x1x768xf32>
        tpu.vector_store %arg12[%swap3A_84, %swap3A_85, %swap3A_86], %swap3A_89 {strides = array<i32>} : memref<2x128x768xf32, #tpu.memory_space<vmem>>, vector<1x1x768xf32>,
        %scan3A_90 = arith.constant 1 : i32
        %scan3A_91 = arith.addi %scan3A_77, %scan3A_90 : i32
        %add3A_92 = arith.addi %mul3A_71, %scan3A_91 : i32
        %get3A_93 = arith.index_cast %add3A_92 : i32 to index
        %get3A_94 = memref.load %arg5[%get3A_93] : memref<5120xi32, #tpu.memory_space<smem>>
        %get3A_95 = arith.index_cast %get3A_94 : i32 to index
        %get3A_96 = arith.constant 0 : index
        %get3A_97 = vector.load %arg6[%get3A_95, %get3A_96] : memref<2048x768xf32, #tpu.memory_space<vmem>>, vector<1x768xf32>
        %swap3A_98 = arith.index_cast %sub3A_72 : i32 to index
        %swap3A_99 = arith.index_cast %scan3A_91 : i32 to index
        %swap3A_100 = arith.constant 0 : index
        %swap3A_101 = vector.load %arg12[%swap3A_98, %swap3A_99, %swap3A_100] : memref<2x128x768xf32, #tpu.memory_space<vmem>>, vector<1x1x768xf32>
        %swap3A_102 = vector.shape_cast %swap3A_101 : vector<1x1x768xf32> to vector<1x768xf32>
        %swap3A_103 = vector.shape_cast %get3A_97 : vector<1x768xf32> to vector<1x1x768xf32>
        tpu.vector_store %arg12[%swap3A_98, %swap3A_99, %swap3A_100], %swap3A_103 {strides = array<i32>} : memref<2x128x768xf32, #tpu.memory_space<vmem>>, vector<1x1x768xf32>,
        %scan3A_104 = arith.constant 2 : i32
        %scan3A_105 = arith.addi %scan3A_77, %scan3A_104 : i32
        %add3A_106 = arith.addi %mul3A_71, %scan3A_105 : i32
        %get3A_107 = arith.index_cast %add3A_106 : i32 to index
        %get3A_108 = memref.load %arg5[%get3A_107] : memref<5120xi32, #tpu.memory_space<smem>>
        %get3A_109 = arith.index_cast %get3A_108 : i32 to index
        %get3A_110 = arith.constant 0 : index
        %get3A_111 = vector.load %arg6[%get3A_109, %get3A_110] : memref<2048x768xf32, #tpu.memory_space<vmem>>, vector<1x768xf32>
        %swap3A_112 = arith.index_cast %sub3A_72 : i32 to index
        %swap3A_113 = arith.index_cast %scan3A_105 : i32 to index
        %swap3A_114 = arith.constant 0 : index
        %swap3A_115 = vector.load %arg12[%swap3A_112, %swap3A_113, %swap3A_114] : memref<2x128x768xf32, #tpu.memory_space<vmem>>, vector<1x1x768xf32>
        %swap3A_116 = vector.shape_cast %swap3A_115 : vector<1x1x768xf32> to vector<1x768xf32>
        %swap3A_117 = vector.shape_cast %get3A_111 : vector<1x768xf32> to vector<1x1x768xf32>
        tpu.vector_store %arg12[%swap3A_112, %swap3A_113, %swap3A_114], %swap3A_117 {strides = array<i32>} : memref<2x128x768xf32, #tpu.memory_space<vmem>>, vector<1x1x768xf32>,
        %scan3A_118 = arith.constant 3 : i32
        %scan3A_119 = arith.addi %scan3A_77, %scan3A_118 : i32
        %add3A_120 = arith.addi %mul3A_71, %scan3A_119 : i32
        %get3A_121 = arith.index_cast %add3A_120 : i32 to index
        %get3A_122 = memref.load %arg5[%get3A_121] : memref<5120xi32, #tpu.memory_space<smem>>
        %get3A_123 = arith.index_cast %get3A_122 : i32 to index
        %get3A_124 = arith.constant 0 : index
        %get3A_125 = vector.load %arg6[%get3A_123, %get3A_124] : memref<2048x768xf32, #tpu.memory_space<vmem>>, vector<1x768xf32>
        %swap3A_126 = arith.index_cast %sub3A_72 : i32 to index
        %swap3A_127 = arith.index_cast %scan3A_119 : i32 to index
        %swap3A_128 = arith.constant 0 : index
        %swap3A_129 = vector.load %arg12[%swap3A_126, %swap3A_127, %swap3A_128] : memref<2x128x768xf32, #tpu.memory_space<vmem>>, vector<1x1x768xf32>
        %swap3A_130 = vector.shape_cast %swap3A_129 : vector<1x1x768xf32> to vector<1x768xf32>
        %swap3A_131 = vector.shape_cast %get3A_125 : vector<1x768xf32> to vector<1x1x768xf32>
        tpu.vector_store %arg12[%swap3A_126, %swap3A_127, %swap3A_128], %swap3A_131 {strides = array<i32>} : memref<2x128x768xf32, #tpu.memory_space<vmem>>, vector<1x1x768xf32>,
        %scan3A_132 = arith.constant 4 : i32
        %scan3A_133 = arith.addi %scan3A_77, %scan3A_132 : i32
        %add3A_134 = arith.addi %mul3A_71, %scan3A_133 : i32
        %get3A_135 = arith.index_cast %add3A_134 : i32 to index
        %get3A_136 = memref.load %arg5[%get3A_135] : memref<5120xi32, #tpu.memory_space<smem>>
        %get3A_137 = arith.index_cast %get3A_136 : i32 to index
        %get3A_138 = arith.constant 0 : index
        %get3A_139 = vector.load %arg6[%get3A_137, %get3A_138] : memref<2048x768xf32, #tpu.memory_space<vmem>>, vector<1x768xf32>
        %swap3A_140 = arith.index_cast %sub3A_72 : i32 to index
        %swap3A_141 = arith.index_cast %scan3A_133 : i32 to index
        %swap3A_142 = arith.constant 0 : index
        %swap3A_143 = vector.load %arg12[%swap3A_140, %swap3A_141, %swap3A_142] : memref<2x128x768xf32, #tpu.memory_space<vmem>>, vector<1x1x768xf32>
        %swap3A_144 = vector.shape_cast %swap3A_143 : vector<1x1x768xf32> to vector<1x768xf32>
        %swap3A_145 = vector.shape_cast %get3A_139 : vector<1x768xf32> to vector<1x1x768xf32>
        tpu.vector_store %arg12[%swap3A_140, %swap3A_141, %swap3A_142], %swap3A_145 {strides = array<i32>} : memref<2x128x768xf32, #tpu.memory_space<vmem>>, vector<1x1x768xf32>,
        %scan3A_146 = arith.constant 5 : i32
        %scan3A_147 = arith.addi %scan3A_77, %scan3A_146 : i32
        %add3A_148 = arith.addi %mul3A_71, %scan3A_147 : i32
        %get3A_149 = arith.index_cast %add3A_148 : i32 to index
        %get3A_150 = memref.load %arg5[%get3A_149] : memref<5120xi32, #tpu.memory_space<smem>>
        %get3A_151 = arith.index_cast %get3A_150 : i32 to index
        %get3A_152 = arith.constant 0 : index
        %get3A_153 = vector.load %arg6[%get3A_151, %get3A_152] : memref<2048x768xf32, #tpu.memory_space<vmem>>, vector<1x768xf32>
        %swap3A_154 = arith.index_cast %sub3A_72 : i32 to index
        %swap3A_155 = arith.index_cast %scan3A_147 : i32 to index
        %swap3A_156 = arith.constant 0 : index
        %swap3A_157 = vector.load %arg12[%swap3A_154, %swap3A_155, %swap3A_156] : memref<2x128x768xf32, #tpu.memory_space<vmem>>, vector<1x1x768xf32>
        %swap3A_158 = vector.shape_cast %swap3A_157 : vector<1x1x768xf32> to vector<1x768xf32>
        %swap3A_159 = vector.shape_cast %get3A_153 : vector<1x768xf32> to vector<1x1x768xf32>
        tpu.vector_store %arg12[%swap3A_154, %swap3A_155, %swap3A_156], %swap3A_159 {strides = array<i32>} : memref<2x128x768xf32, #tpu.memory_space<vmem>>, vector<1x1x768xf32>,
        %scan3A_160 = arith.constant 6 : i32
        %scan3A_161 = arith.addi %scan3A_77, %scan3A_160 : i32
        %add3A_162 = arith.addi %mul3A_71, %scan3A_161 : i32
        %get3A_163 = arith.index_cast %add3A_162 : i32 to index
        %get3A_164 = memref.load %arg5[%get3A_163] : memref<5120xi32, #tpu.memory_space<smem>>
        %get3A_165 = arith.index_cast %get3A_164 : i32 to index
        %get3A_166 = arith.constant 0 : index
        %get3A_167 = vector.load %arg6[%get3A_165, %get3A_166] : memref<2048x768xf32, #tpu.memory_space<vmem>>, vector<1x768xf32>
        %swap3A_168 = arith.index_cast %sub3A_72 : i32 to index
        %swap3A_169 = arith.index_cast %scan3A_161 : i32 to index
        %swap3A_170 = arith.constant 0 : index
        %swap3A_171 = vector.load %arg12[%swap3A_168, %swap3A_169, %swap3A_170] : memref<2x128x768xf32, #tpu.memory_space<vmem>>, vector<1x1x768xf32>
        %swap3A_172 = vector.shape_cast %swap3A_171 : vector<1x1x768xf32> to vector<1x768xf32>
        %swap3A_173 = vector.shape_cast %get3A_167 : vector<1x768xf32> to vector<1x1x768xf32>
        tpu.vector_store %arg12[%swap3A_168, %swap3A_169, %swap3A_170], %swap3A_173 {strides = array<i32>} : memref<2x128x768xf32, #tpu.memory_space<vmem>>, vector<1x1x768xf32>,
        %scan3A_174 = arith.constant 7 : i32
        %scan3A_175 = arith.addi %scan3A_77, %scan3A_174 : i32
        %add3A_176 = arith.addi %mul3A_71, %scan3A_175 : i32
        %get3A_177 = arith.index_cast %add3A_176 : i32 to index
        %get3A_178 = memref.load %arg5[%get3A_177] : memref<5120xi32, #tpu.memory_space<smem>>
        %get3A_179 = arith.index_cast %get3A_178 : i32 to index
        %get3A_180 = arith.constant 0 : index
        %get3A_181 = vector.load %arg6[%get3A_179, %get3A_180] : memref<2048x768xf32, #tpu.memory_space<vmem>>, vector<1x768xf32>
        %swap3A_182 = arith.index_cast %sub3A_72 : i32 to index
        %swap3A_183 = arith.index_cast %scan3A_175 : i32 to index
        %swap3A_184 = arith.constant 0 : index
        %swap3A_185 = vector.load %arg12[%swap3A_182, %swap3A_183, %swap3A_184] : memref<2x128x768xf32, #tpu.memory_space<vmem>>, vector<1x1x768xf32>
        %swap3A_186 = vector.shape_cast %swap3A_185 : vector<1x1x768xf32> to vector<1x768xf32>
        %swap3A_187 = vector.shape_cast %get3A_181 : vector<1x768xf32> to vector<1x1x768xf32>
        tpu.vector_store %arg12[%swap3A_182, %swap3A_183, %swap3A_184], %swap3A_187 {strides = array<i32>} : memref<2x128x768xf32, #tpu.memory_space<vmem>>, vector<1x1x768xf32>,
      }
      %scan3A_76 = arith.constant 128 : i32
    } else {
    }
    return
  }
  func.func @transform_0(%arg0: i32, %arg1: memref<40xi32, #tpu.memory_space<smem>>, %arg2: memref<40xi32, #tpu.memory_space<smem>>, %arg3: memref<40xi32, #tpu.memory_space<smem>>, %arg4: memref<40xi32, #tpu.memory_space<smem>>, %arg5: memref<5120xi32, #tpu.memory_space<smem>>) -> (i32, i32) {
    %c0_i32 = arith.constant 0 : i32
    %c0_i32_0 = arith.constant 0 : i32
    %c0_i32_1 = arith.constant 0 : i32
    return %c0_i32, %c0_i32_0 : i32, i32
  }
  func.func @transform_2(%arg0: i32, %arg1: memref<40xi32, #tpu.memory_space<smem>>, %arg2: memref<40xi32, #tpu.memory_space<smem>>, %arg3: memref<40xi32, #tpu.memory_space<smem>>, %arg4: memref<40xi32, #tpu.memory_space<smem>>, %arg5: memref<5120xi32, #tpu.memory_space<smem>>) -> (i32, i32, i32) {
    %get3A = arith.index_cast %arg0 : i32 to index
    %get3A_0 = memref.load %arg1[%get3A] : memref<40xi32, #tpu.memory_space<smem>>
    %c0_i32 = arith.constant 0 : i32
    %c0_i32_1 = arith.constant 0 : i32
    %c0_i32_2 = arith.constant 0 : i32
    return %get3A_0, %c0_i32, %c0_i32_1 : i32, i32, i32
  }
  func.func @transform_4(%arg0: i32, %arg1: memref<40xi32, #tpu.memory_space<smem>>, %arg2: memref<40xi32, #tpu.memory_space<smem>>, %arg3: memref<40xi32, #tpu.memory_space<smem>>, %arg4: memref<40xi32, #tpu.memory_space<smem>>, %arg5: memref<5120xi32, #tpu.memory_space<smem>>) -> (i32, i32, i32) {
    %get3A = arith.index_cast %arg0 : i32 to index
    %get3A_0 = memref.load %arg1[%get3A] : memref<40xi32, #tpu.memory_space<smem>>
    %c0_i32 = arith.constant 0 : i32
    %c0_i32_1 = arith.constant 0 : i32
    %c0_i32_2 = arith.constant 0 : i32
    return %get3A_0, %c0_i32, %c0_i32_1 : i32, i32, i32
  }
  func.func @transform_5(%arg0: i32, %arg1: memref<40xi32, #tpu.memory_space<smem>>, %arg2: memref<40xi32, #tpu.memory_space<smem>>, %arg3: memref<40xi32, #tpu.memory_space<smem>>, %arg4: memref<40xi32, #tpu.memory_space<smem>>, %arg5: memref<5120xi32, #tpu.memory_space<smem>>) -> (i32, i32) {
    %c0_i32 = arith.constant 0 : i32
    %c0_i32_0 = arith.constant 0 : i32
    return %arg0, %c0_i32 : i32, i32
  }
}

module attributes {stable_mosaic.version = 14 : i64} {
  func.func @_combine_body(%arg0: i32, %arg1: memref<4096xi32, #tpu.memory_space<smem>>, %arg2: memref<128x2xf32, #tpu.memory_space<vmem>>, %arg3: memref<5120x768xf32, #tpu.memory_space<vmem>>, %arg4: memref<128x768xf32, #tpu.memory_space<vmem>>, %arg5: memref<128x768xf32, #tpu.memory_space<vmem>>, %arg6: memref<128x768xf32, #tpu.memory_space<vmem>>) attributes {dimension_semantics = [#tpu.dimension_semantics<parallel>], iteration_bounds = array<i64: 16>, scalar_prefetch = 1 : i64, scratch_operands = 2 : i64, tpu.core_type = #tpu.core_type<tc>, window_params = [{transform_indices = @transform_0, window_bounds = array<i64: 128, 2>}, {pipeline_mode = #tpu.pipeline_mode<synchronous>, transform_indices = @transform_1, window_bounds = array<i64: 5120, 768>}, {transform_indices = @transform_2, window_bounds = array<i64: 128, 768>}]} {
    %scan3A = arith.constant 0 : i32
    %scan3A_0 = arith.constant 128 : i32
    %scan3A_1 = arith.addi %scan3A, %scan3A_0 : i32
    %scan3A_2 = arith.constant 8 : i32
    scf.for %scan3A_20 = %scan3A to %scan3A_1 step %scan3A_2  : i32 {
      %mul3A_21 = arith.constant 128 : i32
      %mul3A_22 = arith.muli %arg0, %mul3A_21 : i32
      %add3A_23 = arith.addi %mul3A_22, %scan3A_20 : i32
      %mul3A_24 = arith.constant 2 : i32
      %mul3A_25 = arith.muli %mul3A_24, %add3A_23 : i32
      %get3A_26 = arith.index_cast %mul3A_25 : i32 to index
      %get3A_27 = memref.load %arg1[%get3A_26] : memref<4096xi32, #tpu.memory_space<smem>>
      %get3A_28 = arith.index_cast %get3A_27 : i32 to index
      %get3A_29 = arith.constant 0 : index
      %get3A_30 = vector.load %arg3[%get3A_28, %get3A_29] : memref<5120x768xf32, #tpu.memory_space<vmem>>, vector<1x768xf32>
      %swap3A_31 = arith.index_cast %scan3A_20 : i32 to index
      %swap3A_32 = arith.constant 0 : index
      %swap3A_33 = vector.load %arg5[%swap3A_31, %swap3A_32] : memref<128x768xf32, #tpu.memory_space<vmem>>, vector<1x768xf32>
      tpu.vector_store %arg5[%swap3A_31, %swap3A_32], %get3A_30 {strides = array<i32>} : memref<128x768xf32, #tpu.memory_space<vmem>>, vector<1x768xf32>,
      %mul3A_34 = arith.constant 2 : i32
      %mul3A_35 = arith.muli %mul3A_34, %add3A_23 : i32
      %add3A_36 = arith.constant 1 : i32
      %add3A_37 = arith.addi %mul3A_35, %add3A_36 : i32
      %get3A_38 = arith.index_cast %add3A_37 : i32 to index
      %get3A_39 = memref.load %arg1[%get3A_38] : memref<4096xi32, #tpu.memory_space<smem>>
      %get3A_40 = arith.index_cast %get3A_39 : i32 to index
      %get3A_41 = arith.constant 0 : index
      %get3A_42 = vector.load %arg3[%get3A_40, %get3A_41] : memref<5120x768xf32, #tpu.memory_space<vmem>>, vector<1x768xf32>
      %swap3A_43 = arith.index_cast %scan3A_20 : i32 to index
      %swap3A_44 = arith.constant 0 : index
      %swap3A_45 = vector.load %arg6[%swap3A_43, %swap3A_44] : memref<128x768xf32, #tpu.memory_space<vmem>>, vector<1x768xf32>
      tpu.vector_store %arg6[%swap3A_43, %swap3A_44], %get3A_42 {strides = array<i32>} : memref<128x768xf32, #tpu.memory_space<vmem>>, vector<1x768xf32>,
      %scan3A_46 = arith.constant 1 : i32
      %scan3A_47 = arith.addi %scan3A_20, %scan3A_46 : i32
      %mul3A_48 = arith.constant 128 : i32
      %mul3A_49 = arith.muli %arg0, %mul3A_48 : i32
      %add3A_50 = arith.addi %mul3A_49, %scan3A_47 : i32
      %mul3A_51 = arith.constant 2 : i32
      %mul3A_52 = arith.muli %mul3A_51, %add3A_50 : i32
      %get3A_53 = arith.index_cast %mul3A_52 : i32 to index
      %get3A_54 = memref.load %arg1[%get3A_53] : memref<4096xi32, #tpu.memory_space<smem>>
      %get3A_55 = arith.index_cast %get3A_54 : i32 to index
      %get3A_56 = arith.constant 0 : index
      %get3A_57 = vector.load %arg3[%get3A_55, %get3A_56] : memref<5120x768xf32, #tpu.memory_space<vmem>>, vector<1x768xf32>
      %swap3A_58 = arith.index_cast %scan3A_47 : i32 to index
      %swap3A_59 = arith.constant 0 : index
      %swap3A_60 = vector.load %arg5[%swap3A_58, %swap3A_59] : memref<128x768xf32, #tpu.memory_space<vmem>>, vector<1x768xf32>
      tpu.vector_store %arg5[%swap3A_58, %swap3A_59], %get3A_57 {strides = array<i32>} : memref<128x768xf32, #tpu.memory_space<vmem>>, vector<1x768xf32>,
      %mul3A_61 = arith.constant 2 : i32
      %mul3A_62 = arith.muli %mul3A_61, %add3A_50 : i32
      %add3A_63 = arith.constant 1 : i32
      %add3A_64 = arith.addi %mul3A_62, %add3A_63 : i32
      %get3A_65 = arith.index_cast %add3A_64 : i32 to index
      %get3A_66 = memref.load %arg1[%get3A_65] : memref<4096xi32, #tpu.memory_space<smem>>
      %get3A_67 = arith.index_cast %get3A_66 : i32 to index
      %get3A_68 = arith.constant 0 : index
      %get3A_69 = vector.load %arg3[%get3A_67, %get3A_68] : memref<5120x768xf32, #tpu.memory_space<vmem>>, vector<1x768xf32>
      %swap3A_70 = arith.index_cast %scan3A_47 : i32 to index
      %swap3A_71 = arith.constant 0 : index
      %swap3A_72 = vector.load %arg6[%swap3A_70, %swap3A_71] : memref<128x768xf32, #tpu.memory_space<vmem>>, vector<1x768xf32>
      tpu.vector_store %arg6[%swap3A_70, %swap3A_71], %get3A_69 {strides = array<i32>} : memref<128x768xf32, #tpu.memory_space<vmem>>, vector<1x768xf32>,
      %scan3A_73 = arith.constant 2 : i32
      %scan3A_74 = arith.addi %scan3A_20, %scan3A_73 : i32
      %mul3A_75 = arith.constant 128 : i32
      %mul3A_76 = arith.muli %arg0, %mul3A_75 : i32
      %add3A_77 = arith.addi %mul3A_76, %scan3A_74 : i32
      %mul3A_78 = arith.constant 2 : i32
      %mul3A_79 = arith.muli %mul3A_78, %add3A_77 : i32
      %get3A_80 = arith.index_cast %mul3A_79 : i32 to index
      %get3A_81 = memref.load %arg1[%get3A_80] : memref<4096xi32, #tpu.memory_space<smem>>
      %get3A_82 = arith.index_cast %get3A_81 : i32 to index
      %get3A_83 = arith.constant 0 : index
      %get3A_84 = vector.load %arg3[%get3A_82, %get3A_83] : memref<5120x768xf32, #tpu.memory_space<vmem>>, vector<1x768xf32>
      %swap3A_85 = arith.index_cast %scan3A_74 : i32 to index
      %swap3A_86 = arith.constant 0 : index
      %swap3A_87 = vector.load %arg5[%swap3A_85, %swap3A_86] : memref<128x768xf32, #tpu.memory_space<vmem>>, vector<1x768xf32>
      tpu.vector_store %arg5[%swap3A_85, %swap3A_86], %get3A_84 {strides = array<i32>} : memref<128x768xf32, #tpu.memory_space<vmem>>, vector<1x768xf32>,
      %mul3A_88 = arith.constant 2 : i32
      %mul3A_89 = arith.muli %mul3A_88, %add3A_77 : i32
      %add3A_90 = arith.constant 1 : i32
      %add3A_91 = arith.addi %mul3A_89, %add3A_90 : i32
      %get3A_92 = arith.index_cast %add3A_91 : i32 to index
      %get3A_93 = memref.load %arg1[%get3A_92] : memref<4096xi32, #tpu.memory_space<smem>>
      %get3A_94 = arith.index_cast %get3A_93 : i32 to index
      %get3A_95 = arith.constant 0 : index
      %get3A_96 = vector.load %arg3[%get3A_94, %get3A_95] : memref<5120x768xf32, #tpu.memory_space<vmem>>, vector<1x768xf32>
      %swap3A_97 = arith.index_cast %scan3A_74 : i32 to index
      %swap3A_98 = arith.constant 0 : index
      %swap3A_99 = vector.load %arg6[%swap3A_97, %swap3A_98] : memref<128x768xf32, #tpu.memory_space<vmem>>, vector<1x768xf32>
      tpu.vector_store %arg6[%swap3A_97, %swap3A_98], %get3A_96 {strides = array<i32>} : memref<128x768xf32, #tpu.memory_space<vmem>>, vector<1x768xf32>,
      %scan3A_100 = arith.constant 3 : i32
      %scan3A_101 = arith.addi %scan3A_20, %scan3A_100 : i32
      %mul3A_102 = arith.constant 128 : i32
      %mul3A_103 = arith.muli %arg0, %mul3A_102 : i32
      %add3A_104 = arith.addi %mul3A_103, %scan3A_101 : i32
      %mul3A_105 = arith.constant 2 : i32
      %mul3A_106 = arith.muli %mul3A_105, %add3A_104 : i32
      %get3A_107 = arith.index_cast %mul3A_106 : i32 to index
      %get3A_108 = memref.load %arg1[%get3A_107] : memref<4096xi32, #tpu.memory_space<smem>>
      %get3A_109 = arith.index_cast %get3A_108 : i32 to index
      %get3A_110 = arith.constant 0 : index
      %get3A_111 = vector.load %arg3[%get3A_109, %get3A_110] : memref<5120x768xf32, #tpu.memory_space<vmem>>, vector<1x768xf32>
      %swap3A_112 = arith.index_cast %scan3A_101 : i32 to index
      %swap3A_113 = arith.constant 0 : index
      %swap3A_114 = vector.load %arg5[%swap3A_112, %swap3A_113] : memref<128x768xf32, #tpu.memory_space<vmem>>, vector<1x768xf32>
      tpu.vector_store %arg5[%swap3A_112, %swap3A_113], %get3A_111 {strides = array<i32>} : memref<128x768xf32, #tpu.memory_space<vmem>>, vector<1x768xf32>,
      %mul3A_115 = arith.constant 2 : i32
      %mul3A_116 = arith.muli %mul3A_115, %add3A_104 : i32
      %add3A_117 = arith.constant 1 : i32
      %add3A_118 = arith.addi %mul3A_116, %add3A_117 : i32
      %get3A_119 = arith.index_cast %add3A_118 : i32 to index
      %get3A_120 = memref.load %arg1[%get3A_119] : memref<4096xi32, #tpu.memory_space<smem>>
      %get3A_121 = arith.index_cast %get3A_120 : i32 to index
      %get3A_122 = arith.constant 0 : index
      %get3A_123 = vector.load %arg3[%get3A_121, %get3A_122] : memref<5120x768xf32, #tpu.memory_space<vmem>>, vector<1x768xf32>
      %swap3A_124 = arith.index_cast %scan3A_101 : i32 to index
      %swap3A_125 = arith.constant 0 : index
      %swap3A_126 = vector.load %arg6[%swap3A_124, %swap3A_125] : memref<128x768xf32, #tpu.memory_space<vmem>>, vector<1x768xf32>
      tpu.vector_store %arg6[%swap3A_124, %swap3A_125], %get3A_123 {strides = array<i32>} : memref<128x768xf32, #tpu.memory_space<vmem>>, vector<1x768xf32>,
      %scan3A_127 = arith.constant 4 : i32
      %scan3A_128 = arith.addi %scan3A_20, %scan3A_127 : i32
      %mul3A_129 = arith.constant 128 : i32
      %mul3A_130 = arith.muli %arg0, %mul3A_129 : i32
      %add3A_131 = arith.addi %mul3A_130, %scan3A_128 : i32
      %mul3A_132 = arith.constant 2 : i32
      %mul3A_133 = arith.muli %mul3A_132, %add3A_131 : i32
      %get3A_134 = arith.index_cast %mul3A_133 : i32 to index
      %get3A_135 = memref.load %arg1[%get3A_134] : memref<4096xi32, #tpu.memory_space<smem>>
      %get3A_136 = arith.index_cast %get3A_135 : i32 to index
      %get3A_137 = arith.constant 0 : index
      %get3A_138 = vector.load %arg3[%get3A_136, %get3A_137] : memref<5120x768xf32, #tpu.memory_space<vmem>>, vector<1x768xf32>
      %swap3A_139 = arith.index_cast %scan3A_128 : i32 to index
      %swap3A_140 = arith.constant 0 : index
      %swap3A_141 = vector.load %arg5[%swap3A_139, %swap3A_140] : memref<128x768xf32, #tpu.memory_space<vmem>>, vector<1x768xf32>
      tpu.vector_store %arg5[%swap3A_139, %swap3A_140], %get3A_138 {strides = array<i32>} : memref<128x768xf32, #tpu.memory_space<vmem>>, vector<1x768xf32>,
      %mul3A_142 = arith.constant 2 : i32
      %mul3A_143 = arith.muli %mul3A_142, %add3A_131 : i32
      %add3A_144 = arith.constant 1 : i32
      %add3A_145 = arith.addi %mul3A_143, %add3A_144 : i32
      %get3A_146 = arith.index_cast %add3A_145 : i32 to index
      %get3A_147 = memref.load %arg1[%get3A_146] : memref<4096xi32, #tpu.memory_space<smem>>
      %get3A_148 = arith.index_cast %get3A_147 : i32 to index
      %get3A_149 = arith.constant 0 : index
      %get3A_150 = vector.load %arg3[%get3A_148, %get3A_149] : memref<5120x768xf32, #tpu.memory_space<vmem>>, vector<1x768xf32>
      %swap3A_151 = arith.index_cast %scan3A_128 : i32 to index
      %swap3A_152 = arith.constant 0 : index
      %swap3A_153 = vector.load %arg6[%swap3A_151, %swap3A_152] : memref<128x768xf32, #tpu.memory_space<vmem>>, vector<1x768xf32>
      tpu.vector_store %arg6[%swap3A_151, %swap3A_152], %get3A_150 {strides = array<i32>} : memref<128x768xf32, #tpu.memory_space<vmem>>, vector<1x768xf32>,
      %scan3A_154 = arith.constant 5 : i32
      %scan3A_155 = arith.addi %scan3A_20, %scan3A_154 : i32
      %mul3A_156 = arith.constant 128 : i32
      %mul3A_157 = arith.muli %arg0, %mul3A_156 : i32
      %add3A_158 = arith.addi %mul3A_157, %scan3A_155 : i32
      %mul3A_159 = arith.constant 2 : i32
      %mul3A_160 = arith.muli %mul3A_159, %add3A_158 : i32
      %get3A_161 = arith.index_cast %mul3A_160 : i32 to index
      %get3A_162 = memref.load %arg1[%get3A_161] : memref<4096xi32, #tpu.memory_space<smem>>
      %get3A_163 = arith.index_cast %get3A_162 : i32 to index
      %get3A_164 = arith.constant 0 : index
      %get3A_165 = vector.load %arg3[%get3A_163, %get3A_164] : memref<5120x768xf32, #tpu.memory_space<vmem>>, vector<1x768xf32>
      %swap3A_166 = arith.index_cast %scan3A_155 : i32 to index
      %swap3A_167 = arith.constant 0 : index
      %swap3A_168 = vector.load %arg5[%swap3A_166, %swap3A_167] : memref<128x768xf32, #tpu.memory_space<vmem>>, vector<1x768xf32>
      tpu.vector_store %arg5[%swap3A_166, %swap3A_167], %get3A_165 {strides = array<i32>} : memref<128x768xf32, #tpu.memory_space<vmem>>, vector<1x768xf32>,
      %mul3A_169 = arith.constant 2 : i32
      %mul3A_170 = arith.muli %mul3A_169, %add3A_158 : i32
      %add3A_171 = arith.constant 1 : i32
      %add3A_172 = arith.addi %mul3A_170, %add3A_171 : i32
      %get3A_173 = arith.index_cast %add3A_172 : i32 to index
      %get3A_174 = memref.load %arg1[%get3A_173] : memref<4096xi32, #tpu.memory_space<smem>>
      %get3A_175 = arith.index_cast %get3A_174 : i32 to index
      %get3A_176 = arith.constant 0 : index
      %get3A_177 = vector.load %arg3[%get3A_175, %get3A_176] : memref<5120x768xf32, #tpu.memory_space<vmem>>, vector<1x768xf32>
      %swap3A_178 = arith.index_cast %scan3A_155 : i32 to index
      %swap3A_179 = arith.constant 0 : index
      %swap3A_180 = vector.load %arg6[%swap3A_178, %swap3A_179] : memref<128x768xf32, #tpu.memory_space<vmem>>, vector<1x768xf32>
      tpu.vector_store %arg6[%swap3A_178, %swap3A_179], %get3A_177 {strides = array<i32>} : memref<128x768xf32, #tpu.memory_space<vmem>>, vector<1x768xf32>,
      %scan3A_181 = arith.constant 6 : i32
      %scan3A_182 = arith.addi %scan3A_20, %scan3A_181 : i32
      %mul3A_183 = arith.constant 128 : i32
      %mul3A_184 = arith.muli %arg0, %mul3A_183 : i32
      %add3A_185 = arith.addi %mul3A_184, %scan3A_182 : i32
      %mul3A_186 = arith.constant 2 : i32
      %mul3A_187 = arith.muli %mul3A_186, %add3A_185 : i32
      %get3A_188 = arith.index_cast %mul3A_187 : i32 to index
      %get3A_189 = memref.load %arg1[%get3A_188] : memref<4096xi32, #tpu.memory_space<smem>>
      %get3A_190 = arith.index_cast %get3A_189 : i32 to index
      %get3A_191 = arith.constant 0 : index
      %get3A_192 = vector.load %arg3[%get3A_190, %get3A_191] : memref<5120x768xf32, #tpu.memory_space<vmem>>, vector<1x768xf32>
      %swap3A_193 = arith.index_cast %scan3A_182 : i32 to index
      %swap3A_194 = arith.constant 0 : index
      %swap3A_195 = vector.load %arg5[%swap3A_193, %swap3A_194] : memref<128x768xf32, #tpu.memory_space<vmem>>, vector<1x768xf32>
      tpu.vector_store %arg5[%swap3A_193, %swap3A_194], %get3A_192 {strides = array<i32>} : memref<128x768xf32, #tpu.memory_space<vmem>>, vector<1x768xf32>,
      %mul3A_196 = arith.constant 2 : i32
      %mul3A_197 = arith.muli %mul3A_196, %add3A_185 : i32
      %add3A_198 = arith.constant 1 : i32
      %add3A_199 = arith.addi %mul3A_197, %add3A_198 : i32
      %get3A_200 = arith.index_cast %add3A_199 : i32 to index
      %get3A_201 = memref.load %arg1[%get3A_200] : memref<4096xi32, #tpu.memory_space<smem>>
      %get3A_202 = arith.index_cast %get3A_201 : i32 to index
      %get3A_203 = arith.constant 0 : index
      %get3A_204 = vector.load %arg3[%get3A_202, %get3A_203] : memref<5120x768xf32, #tpu.memory_space<vmem>>, vector<1x768xf32>
      %swap3A_205 = arith.index_cast %scan3A_182 : i32 to index
      %swap3A_206 = arith.constant 0 : index
      %swap3A_207 = vector.load %arg6[%swap3A_205, %swap3A_206] : memref<128x768xf32, #tpu.memory_space<vmem>>, vector<1x768xf32>
      tpu.vector_store %arg6[%swap3A_205, %swap3A_206], %get3A_204 {strides = array<i32>} : memref<128x768xf32, #tpu.memory_space<vmem>>, vector<1x768xf32>,
      %scan3A_208 = arith.constant 7 : i32
      %scan3A_209 = arith.addi %scan3A_20, %scan3A_208 : i32
      %mul3A_210 = arith.constant 128 : i32
      %mul3A_211 = arith.muli %arg0, %mul3A_210 : i32
      %add3A_212 = arith.addi %mul3A_211, %scan3A_209 : i32
      %mul3A_213 = arith.constant 2 : i32
      %mul3A_214 = arith.muli %mul3A_213, %add3A_212 : i32
      %get3A_215 = arith.index_cast %mul3A_214 : i32 to index
      %get3A_216 = memref.load %arg1[%get3A_215] : memref<4096xi32, #tpu.memory_space<smem>>
      %get3A_217 = arith.index_cast %get3A_216 : i32 to index
      %get3A_218 = arith.constant 0 : index
      %get3A_219 = vector.load %arg3[%get3A_217, %get3A_218] : memref<5120x768xf32, #tpu.memory_space<vmem>>, vector<1x768xf32>
      %swap3A_220 = arith.index_cast %scan3A_209 : i32 to index
      %swap3A_221 = arith.constant 0 : index
      %swap3A_222 = vector.load %arg5[%swap3A_220, %swap3A_221] : memref<128x768xf32, #tpu.memory_space<vmem>>, vector<1x768xf32>
      tpu.vector_store %arg5[%swap3A_220, %swap3A_221], %get3A_219 {strides = array<i32>} : memref<128x768xf32, #tpu.memory_space<vmem>>, vector<1x768xf32>,
      %mul3A_223 = arith.constant 2 : i32
      %mul3A_224 = arith.muli %mul3A_223, %add3A_212 : i32
      %add3A_225 = arith.constant 1 : i32
      %add3A_226 = arith.addi %mul3A_224, %add3A_225 : i32
      %get3A_227 = arith.index_cast %add3A_226 : i32 to index
      %get3A_228 = memref.load %arg1[%get3A_227] : memref<4096xi32, #tpu.memory_space<smem>>
      %get3A_229 = arith.index_cast %get3A_228 : i32 to index
      %get3A_230 = arith.constant 0 : index
      %get3A_231 = vector.load %arg3[%get3A_229, %get3A_230] : memref<5120x768xf32, #tpu.memory_space<vmem>>, vector<1x768xf32>
      %swap3A_232 = arith.index_cast %scan3A_209 : i32 to index
      %swap3A_233 = arith.constant 0 : index
      %swap3A_234 = vector.load %arg6[%swap3A_232, %swap3A_233] : memref<128x768xf32, #tpu.memory_space<vmem>>, vector<1x768xf32>
      tpu.vector_store %arg6[%swap3A_232, %swap3A_233], %get3A_231 {strides = array<i32>} : memref<128x768xf32, #tpu.memory_space<vmem>>, vector<1x768xf32>,
    }
    %scan3A_3 = arith.constant 128 : i32
    %get3A = arith.constant 0 : index
    %get3A_4 = arith.constant 0 : index
    %get3A_5 = vector.load %arg2[%get3A, %get3A_4] : memref<128x2xf32, #tpu.memory_space<vmem>>, vector<128x1xf32>
    %get3A_6 = arith.constant 0 : index
    %get3A_7 = arith.constant 0 : index
    %get3A_8 = vector.load %arg5[%get3A_6, %get3A_7] : memref<128x768xf32, #tpu.memory_space<vmem>>, vector<128x768xf32>
    %mul3A = vector.broadcast %get3A_5 : vector<128x1xf32> to vector<128x768xf32>
    %mul3A_9 = arith.mulf %mul3A, %get3A_8 : vector<128x768xf32>
    %get3A_10 = arith.constant 0 : index
    %get3A_11 = arith.constant 1 : index
    %get3A_12 = vector.load %arg2[%get3A_10, %get3A_11] : memref<128x2xf32, #tpu.memory_space<vmem>>, vector<128x1xf32>
    %get3A_13 = arith.constant 0 : index
    %get3A_14 = arith.constant 0 : index
    %get3A_15 = vector.load %arg6[%get3A_13, %get3A_14] : memref<128x768xf32, #tpu.memory_space<vmem>>, vector<128x768xf32>
    %mul3A_16 = vector.broadcast %get3A_12 : vector<128x1xf32> to vector<128x768xf32>
    %mul3A_17 = arith.mulf %mul3A_16, %get3A_15 : vector<128x768xf32>
    %add3A = arith.addf %mul3A_9, %mul3A_17 : vector<128x768xf32>
    %swap3A = arith.constant 0 : index
    %swap3A_18 = arith.constant 0 : index
    %swap3A_19 = vector.load %arg4[%swap3A, %swap3A_18] : memref<128x768xf32, #tpu.memory_space<vmem>>, vector<128x768xf32>
    tpu.vector_store %arg4[%swap3A, %swap3A_18], %add3A {strides = array<i32>} : memref<128x768xf32, #tpu.memory_space<vmem>>, vector<128x768xf32>,
    return
  }
  func.func @transform_0(%arg0: i32, %arg1: memref<4096xi32, #tpu.memory_space<smem>>) -> (i32, i32) {
    %c0_i32 = arith.constant 0 : i32
    %c0_i32_0 = arith.constant 0 : i32
    return %arg0, %c0_i32 : i32, i32
  }
  func.func @transform_1(%arg0: i32, %arg1: memref<4096xi32, #tpu.memory_space<smem>>) -> (i32, i32) {
    %c0_i32 = arith.constant 0 : i32
    %c0_i32_0 = arith.constant 0 : i32
    %c0_i32_1 = arith.constant 0 : i32
    return %c0_i32, %c0_i32_0 : i32, i32
  }
  func.func @transform_2(%arg0: i32, %arg1: memref<4096xi32, #tpu.memory_space<smem>>) -> (i32, i32) {
    %c0_i32 = arith.constant 0 : i32
    %c0_i32_0 = arith.constant 0 : i32
    return %arg0, %c0_i32 : i32, i32
  }
}

</mosaic_0001>

<sc_bundles>
// kernel: gather_offload_async_start
scs
__scs_entry_jumppad:
0x0: {  	(pc) =	sbr.rel $0x88, $3  }
0x1: {  	(tag) =	ssettag $0x0;
	lr =	simm.s32 $0x1  }
0x2: {  	[smem:$0x3F9A] =	sst lr;
	_ =	strace $0xD0000000  }
0x3: {  	_ = 	snop  }
0x4: {  	_ = 	snop  }
0x5: {  	_ = 	snop  }
0x6: {  	_ = 	snop  }
0x7: {  	_ = 	snop  }
__scs_overlays_trampoline_lowered:
0x8: {  	[smem:$0x3FA9] =	sst s0  }
0x9: {  	[smem:$0x3FAA] =	sst s1  }
0xa: {  	[smem:$0x3FAB] =	sst s2  }
0xb: {  	[smem:$0x3FAC] =	sst s3  }
0xc: {  	[smem:$0x3FAD] =	sst s4  }
0xd: {  	[smem:$0x3FAE] =	sst s5  }
0xe: {  	[smem:$0x3FAF] =	sst s6  }
0xf: {  	[smem:$0x3FB0] =	sst s7  }
0x10: {  	[smem:$0x3FB1] =	sst s8  }
0x11: {  	[smem:$0x3FB2] =	sst s9;
	s0 =	simm.s32 @!p0 $0x0  }
0x12: {  	s1 =	sld [smem:$0x3F98];
	s0 =	simm.s32 @p0 $0x1  }
0x13: {  	[smem:$0x3FB3] =	sst s0;
	s0 =	simm.s32 @!p1 $0x0  }
0x14: {  	s2 =	sld [smem:$0x3F97];
	s0 =	simm.s32 @p1 $0x1  }
0x15: {  	[smem:$0x3FB4] =	sst s0;
	s0 =	simm.s32 @!p2 $0x0  }
0x16: {  	s3 =	sld [smem:$0x3FDB];
	s0 =	simm.s32 @p2 $0x1  }
0x17: {  	s4 =	simm.s32 $0x1BF5;
	[smem:$0x3FB6] =	sst s0  }
0x18: {  	s0 =	sld [smem:$0x3F99];
	_ =	swait.ge [sflag:s4], $0x0  }
0x19: {  	s7 =	sld [smem:$0x3F9A]  }
0x1a: {  	s8 =	sadd.s32 $0xFFFFE003, lr  }
0x1b: {  	s9 =	sadd.s32 $0xFFFFFEF7, lr;
	s5 =	simm.s32 $0xFFFFFFFF;
	p2 =	slt.u32 s8, $0xFFFFF086  }
0x1c: {  	p1 =	slt.u32 s9, $0xF7A;
	s5 =	simm.s32 @!p2 $0x0  }
0x1d: {  	s5 =	simm.s32 @p1 $0x1;
	p0 =	seq.s32 s7, s2  }
0x1e: {  	s7 =	smul.u32 @!p0 $0xF7A, s2;
	p2 =	seq.s32 @!p0 s5, $0x0  }
0x1f: {  	s9 =	smul.u32 $0xF7A, s1;
	s8 =	simm.s32 @!p0 $0x1BF5;
	p2 =	por !p2, p0  }
0x20: {  	[sflag:s8] =	ssyncset.s32 @!p0 $0xFFFFF086;
	s6 =	sadd.s32 @!p0 s3, s7;
	s7 =	simm.s32 @!p0 $0x108  }
0x21: {  	s3 =	sadd.s32 s3, s9;
	s6 =	sadd.s32 @!p0 $0x88, s6;
	s7 =	simm.s32 @p2 $0x1082  }
0x22: {  	[simem:s7], [sflag:s8] =	dma.local @!p0 [hbm:s6], $0xF7A  }
0x23: {  	s9 =	sor.u32 $0xD0000000, s2;
	s6 =	simm.s32 $0x108;
	_ =	swait.ge @!p0 [sflag:s8], $0x0  }
0x24: {  	s3 =	sadd.s32 $0x88, s3;
	s6 =	simm.s32 @!p1 $0x1082;
	[sflag:s4] =	ssyncset.s32 $0xFFFFF086  }
0x25: {  	[simem:s6], [sflag:s4] =	dma.local [hbm:s3], $0xF7A  }
0x26: {  	[smem:$0x3F9A] =	sst s1;
	(tag) =	ssettag s2;
	_ =	strace s9  }
0x27: {  	s1 =	sld [smem:$0x3FAA]  }
0x28: {  	s2 =	sld [smem:$0x3FAB]  }
0x29: {  	s4 =	sld [smem:$0x3FAD]  }
0x2a: {  	p0 =	seq.s32 s5, $0x0;
	s5 =	sld [smem:$0x3FAE]  }
0x2b: {  	s6 =	sld [smem:$0x3FAF]  }
0x2c: {  	s7 =	sld [smem:$0x3FB0]  }
0x2d: {  	s3 =	simm.s32 $0x108;
	s8 =	sld [smem:$0x3FB1]  }
0x2e: {  	s3 =	simm.s32 @!p0 $0x1082;
	s9 =	sld [smem:$0x3FB2]  }
0x2f: {  	lr =	sadd.s32 s0, s3;
	s0 =	sld [smem:$0x3FA9]  }
0x30: {  	s3 =	sld [smem:$0x3FAC]  }
0x31: {  	[smem:$0x3FB5] =	sst s10  }
0x32: {  	s10 =	sld [smem:$0x3FB3];
	_ =	sdelay $0x3  }
0x33: {  	p0 =	seq.s32 s10, $0x1;
	s10 =	sld [smem:$0x3FB5];
	_ =	sdelay $0x3  }
0x34: {  	[smem:$0x3FB5] =	sst s10  }
0x35: {  	s10 =	sld [smem:$0x3FB4];
	_ =	sdelay $0x3  }
0x36: {  	p1 =	seq.s32 s10, $0x1;
	s10 =	sld [smem:$0x3FB5];
	_ =	sdelay $0x3  }
0x37: {  	[smem:$0x3FB5] =	sst s10  }
0x38: {  	s10 =	sld [smem:$0x3FB6]  }
0x39: {  	_ = 	snop;
	(pc) =	sbr.ind lr, $3  }
0x3a: {  	_ = 	snop  }
0x3b: {  	_ = 	snop  }
0x3c: {  	p2 =	seq.s32 s10, $0x1;
	s10 =	sld [smem:$0x3FB5]  }
0x3d: {  	_ =	shalt  }
0x3e: {  	_ =	shalt  }
0x3f: {  	_ =	shalt  }
0x40: {  	_ =	shalt  }
0x41: {  	_ =	shalt  }
0x42: {  	_ =	shalt  }
0x43: {  	_ =	shalt  }
0x44: {  	_ =	shalt  }
0x45: {  	_ =	shalt  }
0x46: {  	_ =	shalt  }
0x47: {  	_ =	shalt  }
0x48: {  	_ =	shalt  }
0x49: {  	_ =	shalt  }
0x4a: {  	_ =	shalt  }
0x4b: {  	_ =	shalt  }
0x4c: {  	_ =	shalt  }
0x4d: {  	_ =	shalt  }
0x4e: {  	_ =	shalt  }
0x4f: {  	_ =	shalt  }
0x50: {  	_ =	shalt  }
0x51: {  	_ =	shalt  }
0x52: {  	_ =	shalt  }
0x53: {  	_ =	shalt  }
0x54: {  	_ =	shalt  }
0x55: {  	_ =	shalt  }
0x56: {  	_ =	shalt  }
0x57: {  	_ =	shalt  }
0x58: {  	_ =	shalt  }
0x59: {  	_ =	shalt  }
0x5a: {  	_ =	shalt  }
0x5b: {  	_ =	shalt  }
0x5c: {  	_ =	shalt  }
0x5d: {  	_ =	shalt  }
0x5e: {  	_ =	shalt  }
0x5f: {  	_ =	shalt  }
0x60: {  	_ =	shalt  }
0x61: {  	_ =	shalt  }
0x62: {  	_ =	shalt  }
0x63: {  	_ =	shalt  }
0x64: {  	_ =	shalt  }
0x65: {  	_ =	shalt  }
0x66: {  	_ =	shalt  }
0x67: {  	_ =	shalt  }
0x68: {  	_ =	shalt  }
0x69: {  	_ =	shalt  }
0x6a: {  	_ =	shalt  }
0x6b: {  	_ =	shalt  }
0x6c: {  	_ =	shalt  }
0x6d: {  	_ =	shalt  }
0x6e: {  	_ =	shalt  }
0x6f: {  	_ =	shalt  }
0x70: {  	_ =	shalt  }
0x71: {  	_ =	shalt  }
0x72: {  	_ =	shalt  }
0x73: {  	_ =	shalt  }
0x74: {  	_ =	shalt  }
0x75: {  	_ =	shalt  }
0x76: {  	_ =	shalt  }
0x77: {  	_ =	shalt  }
0x78: {  	_ =	shalt  }
0x79: {  	_ =	shalt  }
0x7a: {  	_ =	shalt  }
0x7b: {  	_ =	shalt  }
0x7c: {  	_ =	shalt  }
0x7d: {  	_ =	shalt  }
0x7e: {  	_ =	shalt  }
0x7f: {  	_ =	shalt  }
0x80: {  	_ =	shalt  }
0x81: {  	_ =	shalt  }
0x82: {  	_ =	shalt  }
0x83: {  	_ =	shalt  }
0x84: {  	_ =	shalt  }
0x85: {  	_ =	shalt  }
0x86: {  	_ =	shalt  }
0x87: {  	_ =	shalt  }
.Lfunc_end0:
.L_simem_size_0:
called_computation_lowered:
.L_overlay_start_0:
0x88: {  	s2 =	sld [smem:$0x3FD9]  }
0x89: {  	s3 =	sld [smem:$0x3FFE];
	_ =	sdelay $0x1  }
0x8a: {  	s1 =	srdreg.scid  }
0x8b: {  	s0 =	sand.u32 $0x1, s1  }
0x8c: {  	s17 =	sshll.u32 s0, $0xA;
	s2 =	sadd.s32 s3, s2  }
0x8d: {  	s2 =	sadd.s32 s2, s17  }
0x8e: {  	[smem:$0x3FC1] =	sst s2  }
0x8f: {  	_ = 	snop  }
0x90: {  	s2 =	sld [smem:$0x3FD0];
	(tm) =	ssettm $0x1  }
0x91: {  	s18 =	sld [smem:$0x3FFB];
	_ =	sdelay $0x3  }
0x92: {  	_ =	strace s18  }
0x93: {  	s3 =	sld [smem:$0x3FFC];
	_ =	sdelay $0x3  }
0x94: {  	_ =	strace s3  }
0x95: {  	s3 =	sld [smem:$0x3FFD];
	_ =	sdelay $0x3  }
0x96: {  	_ =	strace s3  }
0x97: {  	_ =	strace $0x8FFFFFFF  }
0x98: {  	s19 =	sld [smem:$0x3FDB];
	_ =	sdelay $0x1  }
0x99: {  	s4 =	simm.s32 $_scs_section_size  }
0x9a: {  	s5 =	simm.s32 $_size__tile_overlayer_lowered;
	s6 =	simm.s32 $_tile_overlayer_lowered  }
0x9b: {  	s22 =	simm.s32 $0x1BFF;
	s21 =	sshll.u32 s6, $0x1;
	s3 =	sadd.s32 s4, s19  }
0x9c: {  	s7 =	simm.s32 $0x0;
	s20 =	sshll.u32 s5, $0x1;
	s5 =	sadd.s32 s21, s3  }
0x9d: {  	[timem:s7], [sflag:s22] =	dma.local [hbm:s5], s20  }
0x9e: {  	_ =	swait.ge [sflag:s22], s20  }
0x9f: {  	s4 =	ssub.s32 $0x0, s20;
	[sflag:s22] =	ssyncset.done $0x0  }
0xa0: {  	[sflag:s22] =	ssyncadd.s32 s4;
	_ =	sdelay $0x1  }
0xa1: {  	s23 =	simm.s32 $0x1B8B  }
0xa2: {  	_ =	swait.ge [sflag:s23], $0x1  }
0xa3: {  	[sflag:s23] =	ssyncset.done $0x0  }
0xa4: {  	s25 =	simm.s32 $0x1B8E;
	s24 =	sld [smem:$0x3FFE];
	[sflag:s23] =	ssyncadd.s32 $0xFFFFFFFF  }
0xa5: {  	s26 =	simm.s32 $execute0_lowered;
	[smem:$0x3FD2] =	sst s25  }
0xa6: {  	s5 =	sshll.u32 s26, $0x1;
	_ =	strace $0x80000046;
	[dreg:$0x1] =	wrdreg $0xFFFFFFFF  }
0xa7: {  	s28 =	simm.s32 $_size_execute0_lowered;
	s3 =	sadd.s32 s3, s5;
	[dreg:$0x0] =	wrdreg $0x0  }
0xa8: {  	s5 =	sshll.u32 s28, $0x1;
	[dreg:$0x2] =	wrdreg s3  }
0xa9: {  	[dreg:$0x3] =	wrdreg s5  }
0xaa: {  	[dreg:$0x4] =	wrdreg $0xC0  }
0xab: {  	_ =	task [dreg:s7], $0x5FFFF  }
0xac: {  	[dreg:$0x1] =	wrdreg $0xFFFFFFFF  }
0xad: {  	[dreg:$0x0] =	wrdreg $0x60  }
0xae: {  	[dreg:$0x2] =	wrdreg s2  }
0xaf: {  	[dreg:$0x3] =	wrdreg s24  }
0xb0: {  	[dreg:$0x4] =	wrdreg $0x9  }
0xb1: {  	_ =	task.clear_ibuf [dreg:s7], $0x5FFFF;
	_ =	strace $0x90000046  }
0xb2: {  	s29 =	simm.s32 $0x9;
	_ =	strace $0x80000048  }
0xb3: {  	_ =	swait.ge [sflag:s29], $0x1  }
0xb4: {  	[sflag:s29] =	ssyncadd.s32 $0xFFFFFFFF  }
0xb5: {  	_ =	strace $0x90000048  }
0xb6: {  	_ =	sfence  }
0xb7: {  	s30 =	sld [smem:$0x0];
	_ =	sdelay $0x2  }
0xb8: {  	s31 =	sshll.u32 s1, $0xD;
	s1 =	sshrl.u32 s1, $0x2  }
0xb9: {  	s3 =	sand.u32 $0x4000, s31;
	s1 =	sadd.s32 s1, s30  }
0xba: {  	s0 =	sor.u32 s3, s0;
	s1 =	sshll.u32 s1, $0x11  }
0xbb: {  	s0 =	sor.u32 s1, s0  }
0xbc: {  	s0 =	sadd.s32 $0x8F2B, s0  }
0xbd: {  	[sflag:s0] =	ssyncadd.remote.s32 $0x1  }
0xbe: {  	_ =	sfence.sel $0xFFFF  }
0xbf: {  	[dreg:$0x0] =	wrdreg $0xFFFFFFFF;
	(pc) =	sbr.abs _section_cstart, $3  }
0xc0: {  	[dreg:$0x1] =	wrdreg $0xFFFFFFFF  }
0xc1: {  	_ =	task.clear_ibuf [dreg:s7], $0x2FFFF;
	_ =	strace $0x9FFFFFFF  }
0xc2: {  	(tm) =	ssettm $0x7FFFFFFF  }
0xc3: {  	_ =	shalt  }
tec
execute0_lowered:
.L_overlay_start_1:
0x0: {  	(tag) =	ssettag $0x1  }
0x1: {  	s1 =	srdreg.scid;
	s2 =	rddreg [dreg:$0x0]  }
0x2: {  	s0 =	stileid.u32;
	s5 =	rddreg [dreg:$0x1];
	s6 =	simm.s32 $0x1  }
0x3: {  	s9 =	simm.s32 $0x1;
	s10 =	simm.s32 $0x3;
	s1 =	sshll.u32 s1, $0x6  }
0x4: {  	s13 =	simm.s32 $0x0;
	s3 =	sshll.u32 s0, $0x7;
	s4 =	sand.u32 $0x40, s1  }
0x5: {  	s12 =	simm.s32 $0x0;
	s1 =	rddreg [dreg:$0x2];
	s3 =	sor.u32 s3, s4  }
0x6: {  	_ =	strace $0x80000047;
	s4 =	sadd.s32 $0x9200, s5;
	s8 =	ssub.s32 $0x1000, s3  }
.Ltmp0:
0x7: {  	s5 =	sadd.s32 $0xA600, s5;
	s7 =	sand.u32 $0x7C0, s8;
	(pc) =	sbr.rel .LBB2_1-.Ltmp0, $4  }
0x8: {  	[sflag:s6] =	ssyncpa.u1 $0x0;
	s11 =	smov.u32 s3;
	p0 =	sne.s32 s7, $0x0  }
0x9: {  	s8 =	sshrl.u32 s8, $0xB;
	s7 =	simm.s32 $0x2;
	s9 =	simm.s32 @!p0 $0x0  }
0xa: {  	[sflag:s7] =	ssyncpa.u1 $0x0;
	p0 =	por $0x0, $0x0;
	s8 =	sadd.s32 s9, s8  }
0xb: {  	vm0 =	vmmov $0xffff;
	[sflag:s10] =	ssyncpa.u1 $0x0;
	s10 =	simm.s32 $0x0;
	s9 =	sadd.s32 $0x1, s8  }
.LBB2_4:
0xc: {  	v5 =	vshrl.u32 v1, $0xC;
	v6 =	vshll.u32 v1, $0x7  }
0xd: {  	vm1 =	veq.s32 v1, $0x80000000;
	v58 =	vand.u32 $0x7, v5;
	v59 =	vand.u32 $0x7FF80, v6  }
0xe: {  	v1 =	vsel vm1, $0xFFFFFFFF, v58;
	v5 =	vsel vm1, $0xFFFFFF80, v59  }
0xf: {  	v3 =	vor.u32 v4, v3;
	v60 =	vand.u32 $0xFFFFFC00, v5;
	v61 =	vand.u32 $0xFFFFFC00, v1  }
0x10: {  	v2 =	vor.u32 v2, v3;
	v63 =	vand.u32 $0x380, v5;
	v62 =	vadd.s32 v61, v60  }
0x11: {  	v1 =	vand.u32 $0x7F, v1;
	v3 =	vor.u32 v63, v62  }
0x12: {  	v1 =	vor.u32 v1, v3  }
0x13: {  	[tilespmem:s15], [sflag:$0x1] =	stream.indirect_vreg.gather [hbm4b:s2+s10], $0x1, v0, vm0, $0x4038;
	[tilespmem:$0x100] =	vst v63  }
0x14: {  	(ifvalue) =	ssetifvalue $0x7FFFFFFF  }
0x15: {  	[tilespmem:s16], [sflag:$0x1] =	stream.indirect_vreg.gather [hbm4b:s2+s10], $0x1, v2, vm0, $0x4038;
	[tilespmem:$0x100] =	vst v63  }
0x16: {  	s29 =	sadd.s32 $0x10, s16;
	(ifvalue) =	ssetifvalue $0x7FFFFFFF  }
0x17: {  	[tilespmem:s29], [sflag:$0x1] =	stream.indirect_vreg.gather [hbm4b:s2+s10], $0x1, v1, vm0, $0x4038;
	[tilespmem:$0x100] =	vst v63  }
0x18: {  	_ =	swait.ge [sflag:s6], $0x40  }
0x19: {  	s30 =	sshrl.u32 s13, $0x3;
	[sflag:s6] =	ssyncset.done $0x0  }
0x1a: {  	s31 =	sand.u32 $0x7, s13;
	s15 =	sadd.s32 s5, s30;
	[sflag:s6] =	ssyncadd.s32 $0xFFFFFFC0  }
0x1b: {  	[hbm4b:s15+s31] =	stream.linear.scatter [tilespmem:s14], [sflag:$0x3], $0x40, $0x38;
	[tilespmem:$0x100] =	vst v63  }
.LBB2_5:
0x1c: {  	s15 =	sadd.s32 $0x800, s11  }
0x1d: {  	p2 =	sgt.s32 s15, $0xFFF  }
0x1e: {  	s15 =	smov.u32 @p2 s3;
	p2 =	sne.s32 s12, s9  }
.Ltmp1:
0x1f: {  	p1 =	slt.u32 s12, $0x2;
	(pc) =	sbr.rel @!p2 .LBB2_6-.Ltmp1, $4  }
0x20: {  	s14 =	simm.s32 @!p1 $0x3  }
0x21: {  	s16 =	sadd.s32 $0x1, s12;
	_ =	swait.ge @!p1 [sflag:s14], $0x40  }
0x22: {  	s13 =	smov.u32 s11;
	p0 =	por !p0, !p0;
	[sflag:s14] =	ssyncset.done @!p1 $0x0  }
0x23: {  	s12 =	smov.u32 s16;
	s11 =	smov.u32 s15;
	[sflag:s14] =	ssyncadd.s32 @!p1 $0xFFFFFFC0  }
.LBB2_1:
0x24: {  	p1 =	sge.u32 s12, s8  }
0x25: {  	s14 =	sxor.u32 @!p1 $0xFFFFFFFF, s12  }
0x26: {  	s31 =	sadd.s32 $0xFFFFFFFF, s12;
	s15 =	sshrl.u32 @!p1 s11, $0x3;
	s14 =	sshll.u32 @!p1 s14, $0x6  }
0x27: {  	s16 =	sand.u32 @!p1 $0x7, s11;
	s15 =	sadd.s32 @!p1 s4, s15;
	s14 =	sand.u32 @!p1 $0x40, s14  }
0x28: {  	[tilespmem:s14], [sflag:$0x2] =	stream.linear.gather @!p1 [hbm4b:s15+s16], $0x40, $0x38;
	[tilespmem:$0x100] =	vst v63  }
0x29: {  	p1 =	sge.u32 s31, s8  }
.Ltmp2:
0x2a: {  	_ = 	snop;
	(pc) =	sbr.rel @p1 .LBB2_5-.Ltmp2, $1  }
0x2b: {  	_ =	sdelay $0x3  }
0x2c: {  	s14 =	simm.s32 $0x1  }
0x2d: {  	_ =	swait.ge [sflag:s7], $0x40;
	s14 =	simm.s32 @!p0 $0x0  }
0x2e: {  	[sflag:s7] =	ssyncset.done $0x0;
	s14 =	sshll.u32 s14, $0x6  }
0x2f: {  	[sflag:s7] =	ssyncadd.s32 $0xFFFFFFC0;
	(ifvalue) =	ssetifvalue $0x7FFFFFFF;
	v0 =	vld.msk [tilespmem:s14+$0x0 ss:$0x1], $0xffff;
	_ =	sdelay $0x4  }
0x30: {  	s15 =	sadd.s32 $0x10, s14;
	v2 =	vshrl.u32 v0, $0xC;
	v3 =	vshll.u32 v0, $0x7  }
0x31: {  	v1 =	vld.msk [tilespmem:s15+$0x0 ss:$0x1], $0xffff;
	vm1 =	veq.s32 v0, $0x80000000;
	v0 =	vand.u32 $0x7, v2;
	v2 =	vand.u32 $0x7FF80, v3  }
0x32: {  	v0 =	vsel vm1, $0xFFFFFFFF, v0;
	v2 =	vsel vm1, $0xFFFFFF80, v2  }
0x33: {  	v3 =	vand.u32 $0xFFFFFC00, v2;
	v4 =	vand.u32 $0xFFFFFC00, v0  }
0x34: {  	v2 =	vand.u32 $0x380, v2;
	v3 =	vadd.s32 v4, v3  }
0x35: {  	v0 =	vand.u32 $0x7F, v0;
	v2 =	vor.u32 v2, v3  }
0x36: {  	v5 =	vshll.u32 v1, $0x7;
	v4 =	vshrl.u32 v1, $0xC;
	v0 =	vor.u32 v0, v2  }
0x37: {  	s16 =	sshll.u32 s12, $0x6;
	vm1 =	veq.s32 v1, $0x80000000;
	v1 =	vand.u32 $0x7, v4;
	v4 =	vand.u32 $0x7FF80, v5  }
0x38: {  	s16 =	sand.u32 $0x40, s16;
	s18 =	sadd.s32 $0x10, s15;
	v3 =	vsel vm1, $0xFFFFFFFF, v1;
	v4 =	vsel vm1, $0xFFFFFF80, v4  }
0x39: {  	s17 =	simm.s32 $0x20;
	s15 =	sor.u32 $0x80, s14;
	s14 =	sor.u32 $0x80, s16;
	v1 =	vld.msk [tilespmem:s18+$0x0 ss:$0x1], $0xffff;
	v5 =	vand.u32 $0xFFFFFC00, v4;
	v6 =	vand.u32 $0xFFFFFC00, v3  }
0x3a: {  	s16 =	sadd.s32 $0x10, s15;
	s18 =	sadd.s32 $0x10, s18;
	(ifvalue) =	ssetifvalue $0x7FFFFFFF;
	v2 =	vand.u32 $0x7F, v3;
	v4 =	vand.u32 $0x380, v4;
	v3 =	vadd.s32 v6, v5  }
.LBB2_3:
0x3b: {  	[tilespmem:s15], [sflag:$0x1] =	stream.indirect_vreg.gather [hbm4b:s2+s10], $0x1, v0, vm0, $0x4038;
	[tilespmem:$0x100] =	vst v63  }
0x3c: {  	s17 =	sadd.s32 $0x10, s17  }
0x3d: {  	v3 =	vor.u32 v4, v3;
	p1 =	slt.u32 s17, $0x30  }
.Ltmp3:
0x3e: {  	v4 =	vshrl.u32 v1, $0xC;
	v5 =	vshll.u32 v1, $0x7;
	s15 =	smov.u32 s16;
	v0 =	vor.u32 v2, v3;
	v2 =	vmovc v1;
	v1 =	vld.msk [tilespmem:s18+$0x0 ss:$0x1], $0xffff;
	(pc) =	sbr.rel @p1 .LBB2_3-.Ltmp3, $4  }
0x3f: {  	v3 =	vand.u32 $0x7FF80, v5;
	vm1 =	veq.s32 v2, $0x80000000;
	v2 =	vand.u32 $0x7, v4  }
0x40: {  	v4 =	vsel vm1, $0xFFFFFFFF, v2;
	v5 =	vsel vm1, $0xFFFFFF80, v3  }
0x41: {  	v2 =	vand.u32 $0x7F, v4;
	v3 =	vand.u32 $0xFFFFFC00, v5;
	v4 =	vand.u32 $0xFFFFFC00, v4  }
0x42: {  	s16 =	sadd.s32 $0x10, s16;
	s18 =	sadd.s32 $0x10, s18;
	v3 =	vadd.s32 v4, v3;
	v4 =	vand.u32 $0x380, v5;
	(ifvalue) =	ssetifvalue $0x7FFFFFFF  }
.Ltmp4:
0x43: {  	_ = 	snop;
	(pc) =	sbr.rel .LBB2_4-.Ltmp4, $1  }
0x44: {  	_ =	sdelay $0x3  }
.LBB2_6:
0x45: {  	_ =	sfence.sel $0x180000  }
0x46: {  	s2 =	simm.s32 $0x2;
	[bflag:$0x0] =	sbarrier.arrive $0xFFFF  }
0x47: {  	s30 =	simm.s32 $0x3;
	[sflag:s2] =	ssyncpa.u1 $0x1  }
0x48: {  	s31 =	simm.s32 $0x1;
	[sflag:s30] =	ssyncpa.u1 $0x1  }
0x49: {  	[sflag:s31] =	ssyncpa.u1 $0x1  }
0x4a: {  	p0 =	sne.s32 s0, $0x0;
	_ =	strace $0x90000047  }
0x4b: {  	s0 =	sadd.s32 @!p0 $0x100000, s1;
	[bflag:$0x2] =	sbarrier.arrive $0xFFFF  }
0x4c: {  	[sflag:s0] =	ssyncadd.tile.s32 @!p0 $0x1;
	_ =	shalt  }
.Lfunc_end2:
_tile_overlayer_lowered:
.L_overlay_start_2:
0x4d: {  	(tag) =	ssettag $0x2  }
0x4e: {  	s0 =	rddreg [dreg:$0x0];
	s2 =	stileid.u32  }
0x4f: {  	s1 =	rddreg [dreg:$0x1];
	p0 =	sne.s32 s2, $0x0  }
0x50: {  	s3 =	rddreg [dreg:$0x2];
	[bflag:$0x3] =	sbarrier.arrive $0xFFFF;
	s2 =	simm.s32 @!p0 $0x1C01  }
0x51: {  	[timem:s3], [sflag:s2] =	dma.local @!p0 [hbm:s0], s1  }
0x52: {  	s0 =	simm.s32 @!p0 $0x1  }
0x53: {  	_ =	swait.ge @!p0 [sflag:s0], s1  }
0x54: {  	s1 =	ssub.s32 @!p0 $0x0, s1;
	[sflag:s0] =	ssyncset.done @!p0 $0x0  }
0x55: {  	[sflag:s0] =	ssyncadd.s32 @!p0 s1  }
0x56: {  	[bflag:$0x3] =	sbarrier.arrive $0xFFFF  }
0x57: {  	_ =	shalt  }

</sc_bundles>
